<compile_context>
chip_gen: v7x
topology: tpu7x:2x2x1
jax: 0.10.2.dev20260603
libtpu: 0.0.44.dev20260713+nightly
codegen_flags: <defaults>
</compile_context>

<pallas_src>
import functools

import jax
import jax.numpy as jnp
from jax import lax
from jax.experimental import pallas as pl
from jax.experimental.pallas import tpu as pltpu
from jax.experimental.pallas import tpu_sc as plsc

D = 32
K = 64
DT = 0.02
INV_DT = 1.0 / DT
LANES = 16
CHUNK_ROWS = 8


def _softplus_vec(x):
    z = jnp.exp(-jnp.abs(x))
    y = z * (6.0 + z) / (6.0 + 4.0 * z)
    y = y - 1.0 + (1.0 + z) * jnp.exp(-y)
    y = y - 1.0 + (1.0 + z) * jnp.exp(-y)
    return jnp.maximum(x, 0.0) + y


def _sc_body(rows_per_w, L, LOG2_L, nc, t_hbm, e_hbm, hk_hbm, out_hbm, tab_v, raw_v,
             t_v, e_v, o_v, sem_in, sem_out):
    wid = lax.axis_index("s") * nc + lax.axis_index("c")
    row_base = wid * rows_per_w

    n_chunks = rows_per_w // CHUNK_ROWS

    def start_in(ci, slot):
        r0 = row_base + ci * CHUNK_ROWS
        ct = pltpu.async_copy(t_hbm.at[pl.ds(r0, CHUNK_ROWS), :],
                              t_v.at[slot], sem_in.at[slot])
        ce = pltpu.async_copy(e_hbm.at[pl.ds(r0, CHUNK_ROWS), :],
                              e_v.at[slot], sem_in.at[slot])
        return ct, ce

    def wait_out(slot):
        pltpu.make_async_copy(
            o_v.at[slot], out_hbm.at[pl.ds(0, CHUNK_ROWS), :],
            sem_out.at[slot]).wait()

    start_in(0, 0)
    pltpu.sync_copy(hk_hbm, raw_v)

    @plsc.parallel_loop(0, D * K, step=LANES)
    def _(i):
        d = i >> 6
        col = i & (K - 1)
        xv = raw_v[d, pl.ds(col, LANES)]
        tab_v[pl.ds(i, LANES)] = _softplus_vec(xv)

    start_in(1, 1)

    def chunk_body(ci, _):
        b = ci & 1
        pltpu.make_async_copy(t_hbm.at[pl.ds(0, CHUNK_ROWS), :],
                              t_v.at[b], sem_in.at[b]).wait()
        pltpu.make_async_copy(e_hbm.at[pl.ds(0, CHUNK_ROWS), :],
                              e_v.at[b], sem_in.at[b]).wait()

        @pl.when(ci >= 2)
        def _():
            wait_out(b)

        @plsc.parallel_loop(0, CHUNK_ROWS * L, step=LANES, unroll=8)
        def _(i):
            r = i >> LOG2_L
            s = i & (L - 1)
            tv = t_v[b, r, pl.ds(s, LANES)]
            ev = e_v[b, r, pl.ds(s, LANES)]
            tf = tv * INV_DT
            idx = tf.astype(jnp.int32)
            c = ev * K + idx
            h0 = plsc.load_gather(tab_v, [c])
            h1 = plsc.load_gather(tab_v, [c + 1])
            frac = tf - idx.astype(jnp.float32)
            val = h0 + (h1 - h0) * frac
            o_v[b, r, pl.ds(s, LANES)] = val

        pltpu.async_copy(
            o_v.at[b],
            out_hbm.at[pl.ds(row_base + ci * CHUNK_ROWS, CHUNK_ROWS), :],
            sem_out.at[b])

        @pl.when(ci + 2 < n_chunks)
        def _():
            start_in(ci + 2, b)

        return 0

    lax.fori_loop(0, n_chunks, chunk_body, 0)
    wait_out(0)
    wait_out(1)


def kernel(time_points, event_types, h_knots):
    B, L = time_points.shape

    mesh = plsc.VectorSubcoreMesh(core_axis_name="c", subcore_axis_name="s")
    nw = mesh.num_cores * mesh.num_subcores
    rows_per_w = B // nw

    sc = pl.kernel(
        functools.partial(_sc_body, rows_per_w, L, L.bit_length() - 1,
                          mesh.num_cores),
        out_type=jax.ShapeDtypeStruct((B, L), jnp.float32),
        mesh=mesh,
        compiler_params=pltpu.CompilerParams(needs_layout_passes=False),
        scratch_types=[
            pltpu.VMEM((D * K,), jnp.float32),
            pltpu.VMEM((D, K), jnp.float32),
            pltpu.VMEM((2, CHUNK_ROWS, L), jnp.float32),
            pltpu.VMEM((2, CHUNK_ROWS, L), jnp.int32),
            pltpu.VMEM((2, CHUNK_ROWS, L), jnp.float32),
            pltpu.SemaphoreType.DMA((2,)),
            pltpu.SemaphoreType.DMA((2,)),
        ],
    )
    return sc(time_points, event_types, h_knots)

# --- scband reference (transcript-rebuilt; emitter-appended) ---
"""Pipeline reference for scband-spline-baseline-module-82995948028338 (READ-ONLY COPY).

The authoritative reference and input builder live on the scoring server;
editing this copy changes nothing except your own understanding.
"""

import jax, jax.numpy as jnp
import numpy as np

D = 32
K = 64
DT = 0.02
B = 1024
L = 2048


def inverse_softplus(y):
    # inverse of softplus: log(exp(y) - 1)
    return jnp.log(jnp.expm1(y))


def setup_inputs(seed: int = 0) -> dict:
    key = jax.random.key(seed)
    k1, k2, k3 = jax.random.split(key, 3)
    time_points = jax.random.uniform(k1, (B, L), dtype=jnp.float32)
    event_types = jax.random.randint(k2, (B, L), 0, D).astype(jnp.int32)
    # learned param: h_knots initialized as in torch __init__
    initial_h = jax.random.uniform(k3, (D, K), dtype=jnp.float32) + 0.1
    h_knots = inverse_softplus(initial_h)
    return {"time_points": time_points, "event_types": event_types, "h_knots": h_knots}


def _linear_spline_interpolate(knot_locs, h, flat_t):
    # h: (D, K); flat_t: (N,) -> returns (N, D)
    idx = jnp.clip(jnp.searchsorted(knot_locs, flat_t, side='right') - 1, 0, K - 2)
    x0 = knot_locs[idx]
    x1 = knot_locs[idx + 1]
    hT = h.T  # (K, D)
    h0 = hT[idx]      # (N, D) gather
    h1 = hT[idx + 1]  # (N, D) gather
    m = (h1 - h0) / (x1 - x0)[:, None]
    return h0 + m * (flat_t - x0)[:, None]


def reference(time_points, event_types, h_knots):
    # positive_likelihood_intensities of SplineBaselineModule
    h = jax.nn.softplus(h_knots)  # (D, K) constrained heights
    knot_locs = jnp.arange(K, dtype=jnp.float32) * DT  # buffer
    flat_t = time_points.reshape(-1)
    vals = _linear_spline_interpolate(knot_locs, h, flat_t)  # (B*L, D)
    all_intensities = vals.reshape(time_points.shape[0], time_points.shape[1], D)
    ev = jnp.clip(event_types, 0, None)
    event_intensities = jnp.take_along_axis(all_intensities, ev[..., None], axis=2)[..., 0]
    valid = event_types != -1
    return jnp.where(valid, event_intensities, 0.0)

if __name__ == "__main__":
    import jax
    _d = setup_inputs()
    print(jax.jit(kernel)(*tuple(_d.values())))

</pallas_src>

<mosaic_0001>
#map = affine_map<(d0, d1) -> (0, 0)>
module attributes {stable_mosaic.version = 14 : i64} {
  func.func @_sc_body(%arg0: i32, %arg1: i32, %arg2: memref<1024x2048xf32, #tpu.memory_space<hbm>>, %arg3: memref<1024x2048xi32, #tpu.memory_space<hbm>>, %arg4: memref<32x64xf32, #tpu.memory_space<hbm>>, %arg5: memref<1024x2048xf32, #tpu.memory_space<hbm>>, %arg6: memref<2048xf32, #tpu.memory_space<vmem>>, %arg7: memref<32x64xf32, #tpu.memory_space<vmem>>, %arg8: memref<2x8x2048xf32, #tpu.memory_space<vmem>>, %arg9: memref<2x8x2048xi32, #tpu.memory_space<vmem>>, %arg10: memref<2x8x2048xf32, #tpu.memory_space<vmem>>, %arg11: memref<2x!tpu.dma_semaphore, #tpu.memory_space<semaphore_mem>>, %arg12: memref<2x!tpu.dma_semaphore, #tpu.memory_space<semaphore_mem>>) attributes {dimension_semantics = [#tpu.dimension_semantics<core_parallel>, #tpu.dimension_semantics<subcore_parallel>], iteration_bounds = array<i64: 2, 16>, scalar_prefetch = 0 : i64, scratch_operands = 7 : i64, tpu.core_type = #tpu.core_type<sc_vector_subcore>, window_params = [{transform_indices = #map}, {transform_indices = #map}, {transform_indices = #map}, {transform_indices = #map}]} {
    %mul3A = arith.constant 2 : i32
    %mul3A_0 = arith.muli %arg1, %mul3A : i32
    %add3A = arith.addi %mul3A_0, %arg0 : i32
    %mul3A_1 = arith.constant 32 : i32
    %mul3A_2 = arith.muli %add3A, %mul3A_1 : i32
    %add3A_3 = arith.constant 0 : i32
    %add3A_4 = arith.addi %mul3A_2, %add3A_3 : i32
    %dma_start3A = arith.constant 0 : i32
    %dma_start3A_5 = arith.constant 0 : i32
    %dma_start3A_6 = arith.constant 0 : i32
    %dma_start3A_7 = arith.constant 0 : i32
    %dma_start3A_8 = tpu.memref_slice %arg8[%dma_start3A, %dma_start3A_6, %dma_start3A_7] : memref<2x8x2048xf32, #tpu.memory_space<vmem>> -> memref<1x8x2048xf32, #tpu.memory_space<vmem>>
    %dma_start3A_9 = tpu.memref_squeeze %dma_start3A_8 : memref<1x8x2048xf32, #tpu.memory_space<vmem>> -> memref<8x2048xf32, #tpu.memory_space<vmem>>
    %dma_start3A_10 = arith.constant 0 : i32
    %dma_start3A_11 = tpu.memref_slice %arg2[%add3A_4, %dma_start3A_10] : memref<1024x2048xf32, #tpu.memory_space<hbm>> -> memref<8x2048xf32, #tpu.memory_space<hbm>>
    %dma_start3A_12 = tpu.memref_slice %arg11[%dma_start3A_5] : memref<2x!tpu.dma_semaphore, #tpu.memory_space<semaphore_mem>> -> memref<1x!tpu.dma_semaphore, #tpu.memory_space<semaphore_mem>>
    %dma_start3A_13 = tpu.memref_squeeze %dma_start3A_12 : memref<1x!tpu.dma_semaphore, #tpu.memory_space<semaphore_mem>> -> memref<!tpu.dma_semaphore, #tpu.memory_space<semaphore_mem>>
    %dma_start3A_14 = arith.constant 0 : i32
    %dma_start3A_15 = arith.constant 0 : i32
    %dma_start3A_16 = tpu.memref_slice %arg8[%dma_start3A, %dma_start3A_14, %dma_start3A_15] : memref<2x8x2048xf32, #tpu.memory_space<vmem>> -> memref<1x8x2048xf32, #tpu.memory_space<vmem>>
    %dma_start3A_17 = tpu.memref_squeeze %dma_start3A_16 : memref<1x8x2048xf32, #tpu.memory_space<vmem>> -> memref<8x2048xf32, #tpu.memory_space<vmem>>
    %dma_start3A_18 = arith.constant 0 : i32
    %dma_start3A_19 = tpu.memref_slice %arg2[%add3A_4, %dma_start3A_18] : memref<1024x2048xf32, #tpu.memory_space<hbm>> -> memref<8x2048xf32, #tpu.memory_space<hbm>>
    tpu.enqueue_dma source(%dma_start3A_19 : memref<8x2048xf32, #tpu.memory_space<hbm>>) target(%dma_start3A_17 : memref<8x2048xf32, #tpu.memory_space<vmem>>) target_semaphore(%dma_start3A_13 : memref<!tpu.dma_semaphore, #tpu.memory_space<semaphore_mem>>)
    %dma_start3A_20 = arith.constant 0 : i32
    %dma_start3A_21 = arith.constant 0 : i32
    %dma_start3A_22 = arith.constant 0 : i32
    %dma_start3A_23 = arith.constant 0 : i32
    %dma_start3A_24 = tpu.memref_slice %arg9[%dma_start3A_20, %dma_start3A_22, %dma_start3A_23] : memref<2x8x2048xi32, #tpu.memory_space<vmem>> -> memref<1x8x2048xi32, #tpu.memory_space<vmem>>
    %dma_start3A_25 = tpu.memref_squeeze %dma_start3A_24 : memref<1x8x2048xi32, #tpu.memory_space<vmem>> -> memref<8x2048xi32, #tpu.memory_space<vmem>>
    %dma_start3A_26 = arith.constant 0 : i32
    %dma_start3A_27 = tpu.memref_slice %arg3[%add3A_4, %dma_start3A_26] : memref<1024x2048xi32, #tpu.memory_space<hbm>> -> memref<8x2048xi32, #tpu.memory_space<hbm>>
    %dma_start3A_28 = tpu.memref_slice %arg11[%dma_start3A_21] : memref<2x!tpu.dma_semaphore, #tpu.memory_space<semaphore_mem>> -> memref<1x!tpu.dma_semaphore, #tpu.memory_space<semaphore_mem>>
    %dma_start3A_29 = tpu.memref_squeeze %dma_start3A_28 : memref<1x!tpu.dma_semaphore, #tpu.memory_space<semaphore_mem>> -> memref<!tpu.dma_semaphore, #tpu.memory_space<semaphore_mem>>
    %dma_start3A_30 = arith.constant 0 : i32
    %dma_start3A_31 = arith.constant 0 : i32
    %dma_start3A_32 = tpu.memref_slice %arg9[%dma_start3A_20, %dma_start3A_30, %dma_start3A_31] : memref<2x8x2048xi32, #tpu.memory_space<vmem>> -> memref<1x8x2048xi32, #tpu.memory_space<vmem>>
    %dma_start3A_33 = tpu.memref_squeeze %dma_start3A_32 : memref<1x8x2048xi32, #tpu.memory_space<vmem>> -> memref<8x2048xi32, #tpu.memory_space<vmem>>
    %dma_start3A_34 = arith.constant 0 : i32
    %dma_start3A_35 = tpu.memref_slice %arg3[%add3A_4, %dma_start3A_34] : memref<1024x2048xi32, #tpu.memory_space<hbm>> -> memref<8x2048xi32, #tpu.memory_space<hbm>>
    tpu.enqueue_dma source(%dma_start3A_35 : memref<8x2048xi32, #tpu.memory_space<hbm>>) target(%dma_start3A_33 : memref<8x2048xi32, #tpu.memory_space<vmem>>) target_semaphore(%dma_start3A_29 : memref<!tpu.dma_semaphore, #tpu.memory_space<semaphore_mem>>)
    "tpu.region"() ({
      %run_scoped3A = tpu.sem_alloc : memref<!tpu.dma_semaphore, #tpu.memory_space<semaphore_mem>>
      tpu.enqueue_dma source(%arg4 : memref<32x64xf32, #tpu.memory_space<hbm>>) target(%arg7 : memref<32x64xf32, #tpu.memory_space<vmem>>) target_semaphore(%run_scoped3A : memref<!tpu.dma_semaphore, #tpu.memory_space<semaphore_mem>>)
      tpu.wait_dma2 semaphore(%run_scoped3A : memref<!tpu.dma_semaphore, #tpu.memory_space<semaphore_mem>>) src(%arg4 : memref<32x64xf32, #tpu.memory_space<hbm>>) dst(%arg7 : memref<32x64xf32, #tpu.memory_space<vmem>>)
      tpu.yield
    }) : () -> ()
    %parallel_loop3A = arith.constant 0 : i32
    %parallel_loop3A_36 = arith.constant 2048 : i32
    %parallel_loop3A_37 = arith.constant 16 : i32
    scf.for %parallel_loop3A_113 = %parallel_loop3A to %parallel_loop3A_36 step %parallel_loop3A_37  : i32 {
      %parallel_loop3A_114 = arith.constant 6 : i32
      %parallel_loop3A_115 = arith.shrsi %parallel_loop3A_113, %parallel_loop3A_114 : i32
      %parallel_loop3A_116 = arith.constant 63 : i32
      %parallel_loop3A_117 = arith.andi %parallel_loop3A_113, %parallel_loop3A_116 : i32
      %parallel_loop3A_118 = arith.index_cast %parallel_loop3A_115 : i32 to index
      %parallel_loop3A_119 = arith.index_cast %parallel_loop3A_117 : i32 to index
      %parallel_loop3A_120 = tpu.vector_load %arg7[%parallel_loop3A_118, %parallel_loop3A_119] {strides = array<i32>} : memref<32x64xf32, #tpu.memory_space<vmem>>, vector<16xf32>,
      %parallel_loop3A_121 = math.absf %parallel_loop3A_120 : vector<16xf32>
      %parallel_loop3A_122 = arith.constant 0.000000e+00 : f32
      %parallel_loop3A_123 = vector.broadcast %parallel_loop3A_122 : f32 to vector<16xf32>
      %parallel_loop3A_124 = arith.subf %parallel_loop3A_123, %parallel_loop3A_121 : vector<16xf32>
      %parallel_loop3A_125 = math.exp %parallel_loop3A_124 : vector<16xf32>
      %parallel_loop3A_126 = arith.constant 6.000000e+00 : f32
      %parallel_loop3A_127 = vector.broadcast %parallel_loop3A_126 : f32 to vector<16xf32>
      %parallel_loop3A_128 = arith.addf %parallel_loop3A_127, %parallel_loop3A_125 : vector<16xf32>
      %parallel_loop3A_129 = arith.mulf %parallel_loop3A_125, %parallel_loop3A_128 : vector<16xf32>
      %parallel_loop3A_130 = arith.constant 4.000000e+00 : f32
      %parallel_loop3A_131 = vector.broadcast %parallel_loop3A_130 : f32 to vector<16xf32>
      %parallel_loop3A_132 = arith.mulf %parallel_loop3A_131, %parallel_loop3A_125 : vector<16xf32>
      %parallel_loop3A_133 = arith.constant 6.000000e+00 : f32
      %parallel_loop3A_134 = vector.broadcast %parallel_loop3A_133 : f32 to vector<16xf32>
      %parallel_loop3A_135 = arith.addf %parallel_loop3A_134, %parallel_loop3A_132 : vector<16xf32>
      %parallel_loop3A_136 = arith.divf %parallel_loop3A_129, %parallel_loop3A_135 : vector<16xf32>
      %parallel_loop3A_137 = arith.constant 1.000000e+00 : f32
      %parallel_loop3A_138 = vector.broadcast %parallel_loop3A_137 : f32 to vector<16xf32>
      %parallel_loop3A_139 = arith.subf %parallel_loop3A_136, %parallel_loop3A_138 : vector<16xf32>
      %parallel_loop3A_140 = arith.constant 1.000000e+00 : f32
      %parallel_loop3A_141 = vector.broadcast %parallel_loop3A_140 : f32 to vector<16xf32>
      %parallel_loop3A_142 = arith.addf %parallel_loop3A_141, %parallel_loop3A_125 : vector<16xf32>
      %parallel_loop3A_143 = arith.constant 0.000000e+00 : f32
      %parallel_loop3A_144 = vector.broadcast %parallel_loop3A_143 : f32 to vector<16xf32>
      %parallel_loop3A_145 = arith.subf %parallel_loop3A_144, %parallel_loop3A_136 : vector<16xf32>
      %parallel_loop3A_146 = math.exp %parallel_loop3A_145 : vector<16xf32>
      %parallel_loop3A_147 = arith.mulf %parallel_loop3A_142, %parallel_loop3A_146 : vector<16xf32>
      %parallel_loop3A_148 = arith.addf %parallel_loop3A_139, %parallel_loop3A_147 : vector<16xf32>
      %parallel_loop3A_149 = arith.constant 1.000000e+00 : f32
      %parallel_loop3A_150 = vector.broadcast %parallel_loop3A_149 : f32 to vector<16xf32>
      %parallel_loop3A_151 = arith.subf %parallel_loop3A_148, %parallel_loop3A_150 : vector<16xf32>
      %parallel_loop3A_152 = arith.constant 1.000000e+00 : f32
      %parallel_loop3A_153 = vector.broadcast %parallel_loop3A_152 : f32 to vector<16xf32>
      %parallel_loop3A_154 = arith.addf %parallel_loop3A_153, %parallel_loop3A_125 : vector<16xf32>
      %parallel_loop3A_155 = arith.constant 0.000000e+00 : f32
      %parallel_loop3A_156 = vector.broadcast %parallel_loop3A_155 : f32 to vector<16xf32>
      %parallel_loop3A_157 = arith.subf %parallel_loop3A_156, %parallel_loop3A_148 : vector<16xf32>
      %parallel_loop3A_158 = math.exp %parallel_loop3A_157 : vector<16xf32>
      %parallel_loop3A_159 = arith.mulf %parallel_loop3A_154, %parallel_loop3A_158 : vector<16xf32>
      %parallel_loop3A_160 = arith.addf %parallel_loop3A_151, %parallel_loop3A_159 : vector<16xf32>
      %parallel_loop3A_161 = arith.constant 0.000000e+00 : f32
      %parallel_loop3A_162 = vector.broadcast %parallel_loop3A_161 : f32 to vector<16xf32>
      %parallel_loop3A_163 = arith.maximumf %parallel_loop3A_120, %parallel_loop3A_162 : vector<16xf32>
      %parallel_loop3A_164 = arith.addf %parallel_loop3A_163, %parallel_loop3A_160 : vector<16xf32>
      %parallel_loop3A_165 = arith.index_cast %parallel_loop3A_113 : i32 to index
      %parallel_loop3A_166 = tpu.vector_load %arg6[%parallel_loop3A_165] {strides = array<i32>} : memref<2048xf32, #tpu.memory_space<vmem>>, vector<16xf32>,
      tpu.vector_store %arg6[%parallel_loop3A_165], %parallel_loop3A_164 {strides = array<i32>} : memref<2048xf32, #tpu.memory_space<vmem>>, vector<16xf32>,
    } {sc.loop_unroll_factor = 1 : i64, sc.parallel_access}
    %add3A_38 = arith.constant 8 : i32
    %add3A_39 = arith.addi %mul3A_2, %add3A_38 : i32
    %dma_start3A_40 = arith.constant 1 : i32
    %dma_start3A_41 = arith.constant 1 : i32
    %dma_start3A_42 = arith.constant 0 : i32
    %dma_start3A_43 = arith.constant 0 : i32
    %dma_start3A_44 = tpu.memref_slice %arg8[%dma_start3A_40, %dma_start3A_42, %dma_start3A_43] : memref<2x8x2048xf32, #tpu.memory_space<vmem>> -> memref<1x8x2048xf32, #tpu.memory_space<vmem>>
    %dma_start3A_45 = tpu.memref_squeeze %dma_start3A_44 : memref<1x8x2048xf32, #tpu.memory_space<vmem>> -> memref<8x2048xf32, #tpu.memory_space<vmem>>
    %dma_start3A_46 = arith.constant 0 : i32
    %dma_start3A_47 = tpu.memref_slice %arg2[%add3A_39, %dma_start3A_46] : memref<1024x2048xf32, #tpu.memory_space<hbm>> -> memref<8x2048xf32, #tpu.memory_space<hbm>>
    %dma_start3A_48 = tpu.memref_slice %arg11[%dma_start3A_41] : memref<2x!tpu.dma_semaphore, #tpu.memory_space<semaphore_mem>> -> memref<1x!tpu.dma_semaphore, #tpu.memory_space<semaphore_mem>>
    %dma_start3A_49 = tpu.memref_squeeze %dma_start3A_48 : memref<1x!tpu.dma_semaphore, #tpu.memory_space<semaphore_mem>> -> memref<!tpu.dma_semaphore, #tpu.memory_space<semaphore_mem>>
    %dma_start3A_50 = arith.constant 0 : i32
    %dma_start3A_51 = arith.constant 0 : i32
    %dma_start3A_52 = tpu.memref_slice %arg8[%dma_start3A_40, %dma_start3A_50, %dma_start3A_51] : memref<2x8x2048xf32, #tpu.memory_space<vmem>> -> memref<1x8x2048xf32, #tpu.memory_space<vmem>>
    %dma_start3A_53 = tpu.memref_squeeze %dma_start3A_52 : memref<1x8x2048xf32, #tpu.memory_space<vmem>> -> memref<8x2048xf32, #tpu.memory_space<vmem>>
    %dma_start3A_54 = arith.constant 0 : i32
    %dma_start3A_55 = tpu.memref_slice %arg2[%add3A_39, %dma_start3A_54] : memref<1024x2048xf32, #tpu.memory_space<hbm>> -> memref<8x2048xf32, #tpu.memory_space<hbm>>
    tpu.enqueue_dma source(%dma_start3A_55 : memref<8x2048xf32, #tpu.memory_space<hbm>>) target(%dma_start3A_53 : memref<8x2048xf32, #tpu.memory_space<vmem>>) target_semaphore(%dma_start3A_49 : memref<!tpu.dma_semaphore, #tpu.memory_space<semaphore_mem>>)
    %dma_start3A_56 = arith.constant 1 : i32
    %dma_start3A_57 = arith.constant 1 : i32
    %dma_start3A_58 = arith.constant 0 : i32
    %dma_start3A_59 = arith.constant 0 : i32
    %dma_start3A_60 = tpu.memref_slice %arg9[%dma_start3A_56, %dma_start3A_58, %dma_start3A_59] : memref<2x8x2048xi32, #tpu.memory_space<vmem>> -> memref<1x8x2048xi32, #tpu.memory_space<vmem>>
    %dma_start3A_61 = tpu.memref_squeeze %dma_start3A_60 : memref<1x8x2048xi32, #tpu.memory_space<vmem>> -> memref<8x2048xi32, #tpu.memory_space<vmem>>
    %dma_start3A_62 = arith.constant 0 : i32
    %dma_start3A_63 = tpu.memref_slice %arg3[%add3A_39, %dma_start3A_62] : memref<1024x2048xi32, #tpu.memory_space<hbm>> -> memref<8x2048xi32, #tpu.memory_space<hbm>>
    %dma_start3A_64 = tpu.memref_slice %arg11[%dma_start3A_57] : memref<2x!tpu.dma_semaphore, #tpu.memory_space<semaphore_mem>> -> memref<1x!tpu.dma_semaphore, #tpu.memory_space<semaphore_mem>>
    %dma_start3A_65 = tpu.memref_squeeze %dma_start3A_64 : memref<1x!tpu.dma_semaphore, #tpu.memory_space<semaphore_mem>> -> memref<!tpu.dma_semaphore, #tpu.memory_space<semaphore_mem>>
    %dma_start3A_66 = arith.constant 0 : i32
    %dma_start3A_67 = arith.constant 0 : i32
    %dma_start3A_68 = tpu.memref_slice %arg9[%dma_start3A_56, %dma_start3A_66, %dma_start3A_67] : memref<2x8x2048xi32, #tpu.memory_space<vmem>> -> memref<1x8x2048xi32, #tpu.memory_space<vmem>>
    %dma_start3A_69 = tpu.memref_squeeze %dma_start3A_68 : memref<1x8x2048xi32, #tpu.memory_space<vmem>> -> memref<8x2048xi32, #tpu.memory_space<vmem>>
    %dma_start3A_70 = arith.constant 0 : i32
    %dma_start3A_71 = tpu.memref_slice %arg3[%add3A_39, %dma_start3A_70] : memref<1024x2048xi32, #tpu.memory_space<hbm>> -> memref<8x2048xi32, #tpu.memory_space<hbm>>
    tpu.enqueue_dma source(%dma_start3A_71 : memref<8x2048xi32, #tpu.memory_space<hbm>>) target(%dma_start3A_69 : memref<8x2048xi32, #tpu.memory_space<vmem>>) target_semaphore(%dma_start3A_65 : memref<!tpu.dma_semaphore, #tpu.memory_space<semaphore_mem>>)
    %scan3A = arith.constant 0 : i32
    %scan3A_72 = arith.constant 0 : i32
    %scan3A_73 = arith.constant 4 : i32
    %scan3A_74 = arith.addi %scan3A_72, %scan3A_73 : i32
    %scan3A_75 = arith.constant 1 : i32
    %scan3A_76 = scf.for %scan3A_113 = %scan3A_72 to %scan3A_74 step %scan3A_75 iter_args(%scan3A_114 = %scan3A) -> (i32)  : i32 {
      %and3A = arith.constant 1 : i32
      %and3A_115 = arith.andi %scan3A_113, %and3A : i32
      %dma_wait3A_116 = arith.constant 0 : i32
      %dma_wait3A_117 = arith.constant 0 : i32
      %dma_wait3A_118 = tpu.memref_slice %arg8[%and3A_115, %dma_wait3A_116, %dma_wait3A_117] : memref<2x8x2048xf32, #tpu.memory_space<vmem>> -> memref<1x8x2048xf32, #tpu.memory_space<vmem>>
      %dma_wait3A_119 = tpu.memref_squeeze %dma_wait3A_118 : memref<1x8x2048xf32, #tpu.memory_space<vmem>> -> memref<8x2048xf32, #tpu.memory_space<vmem>>
      %dma_wait3A_120 = arith.constant 0 : i32
      %dma_wait3A_121 = arith.constant 0 : i32
      %dma_wait3A_122 = tpu.memref_slice %arg2[%dma_wait3A_120, %dma_wait3A_121] : memref<1024x2048xf32, #tpu.memory_space<hbm>> -> memref<8x2048xf32, #tpu.memory_space<hbm>>
      %dma_wait3A_123 = tpu.memref_slice %arg11[%and3A_115] : memref<2x!tpu.dma_semaphore, #tpu.memory_space<semaphore_mem>> -> memref<1x!tpu.dma_semaphore, #tpu.memory_space<semaphore_mem>>
      %dma_wait3A_124 = tpu.memref_squeeze %dma_wait3A_123 : memref<1x!tpu.dma_semaphore, #tpu.memory_space<semaphore_mem>> -> memref<!tpu.dma_semaphore, #tpu.memory_space<semaphore_mem>>
      %dma_wait3A_125 = arith.constant 0 : i32
      %dma_wait3A_126 = arith.constant 0 : i32
      %dma_wait3A_127 = tpu.memref_slice %arg8[%and3A_115, %dma_wait3A_125, %dma_wait3A_126] : memref<2x8x2048xf32, #tpu.memory_space<vmem>> -> memref<1x8x2048xf32, #tpu.memory_space<vmem>>
      %dma_wait3A_128 = tpu.memref_squeeze %dma_wait3A_127 : memref<1x8x2048xf32, #tpu.memory_space<vmem>> -> memref<8x2048xf32, #tpu.memory_space<vmem>>
      %dma_wait3A_129 = arith.constant 0 : i32
      %dma_wait3A_130 = arith.constant 0 : i32
      %dma_wait3A_131 = tpu.memref_slice %arg2[%dma_wait3A_129, %dma_wait3A_130] : memref<1024x2048xf32, #tpu.memory_space<hbm>> -> memref<8x2048xf32, #tpu.memory_space<hbm>>
      tpu.wait_dma2 semaphore(%dma_wait3A_124 : memref<!tpu.dma_semaphore, #tpu.memory_space<semaphore_mem>>) src(%dma_wait3A_131 : memref<8x2048xf32, #tpu.memory_space<hbm>>) dst(%dma_wait3A_128 : memref<8x2048xf32, #tpu.memory_space<vmem>>)
      %dma_wait3A_132 = arith.constant 0 : i32
      %dma_wait3A_133 = arith.constant 0 : i32
      %dma_wait3A_134 = tpu.memref_slice %arg9[%and3A_115, %dma_wait3A_132, %dma_wait3A_133] : memref<2x8x2048xi32, #tpu.memory_space<vmem>> -> memref<1x8x2048xi32, #tpu.memory_space<vmem>>
      %dma_wait3A_135 = tpu.memref_squeeze %dma_wait3A_134 : memref<1x8x2048xi32, #tpu.memory_space<vmem>> -> memref<8x2048xi32, #tpu.memory_space<vmem>>
      %dma_wait3A_136 = arith.constant 0 : i32
      %dma_wait3A_137 = arith.constant 0 : i32
      %dma_wait3A_138 = tpu.memref_slice %arg3[%dma_wait3A_136, %dma_wait3A_137] : memref<1024x2048xi32, #tpu.memory_space<hbm>> -> memref<8x2048xi32, #tpu.memory_space<hbm>>
      %dma_wait3A_139 = tpu.memref_slice %arg11[%and3A_115] : memref<2x!tpu.dma_semaphore, #tpu.memory_space<semaphore_mem>> -> memref<1x!tpu.dma_semaphore, #tpu.memory_space<semaphore_mem>>
      %dma_wait3A_140 = tpu.memref_squeeze %dma_wait3A_139 : memref<1x!tpu.dma_semaphore, #tpu.memory_space<semaphore_mem>> -> memref<!tpu.dma_semaphore, #tpu.memory_space<semaphore_mem>>
      %dma_wait3A_141 = arith.constant 0 : i32
      %dma_wait3A_142 = arith.constant 0 : i32
      %dma_wait3A_143 = tpu.memref_slice %arg9[%and3A_115, %dma_wait3A_141, %dma_wait3A_142] : memref<2x8x2048xi32, #tpu.memory_space<vmem>> -> memref<1x8x2048xi32, #tpu.memory_space<vmem>>
      %dma_wait3A_144 = tpu.memref_squeeze %dma_wait3A_143 : memref<1x8x2048xi32, #tpu.memory_space<vmem>> -> memref<8x2048xi32, #tpu.memory_space<vmem>>
      %dma_wait3A_145 = arith.constant 0 : i32
      %dma_wait3A_146 = arith.constant 0 : i32
      %dma_wait3A_147 = tpu.memref_slice %arg3[%dma_wait3A_145, %dma_wait3A_146] : memref<1024x2048xi32, #tpu.memory_space<hbm>> -> memref<8x2048xi32, #tpu.memory_space<hbm>>
      tpu.wait_dma2 semaphore(%dma_wait3A_140 : memref<!tpu.dma_semaphore, #tpu.memory_space<semaphore_mem>>) src(%dma_wait3A_147 : memref<8x2048xi32, #tpu.memory_space<hbm>>) dst(%dma_wait3A_144 : memref<8x2048xi32, #tpu.memory_space<vmem>>)
      %ge3A = arith.constant 2 : i32
      %ge3A_148 = arith.cmpi sge, %scan3A_113, %ge3A : i32
      %convert_element_type3A = arith.extui %ge3A_148 : i1 to i32
      %cond3A = arith.constant 0 : i32
      %cond3A_149 = arith.cmpi ne, %convert_element_type3A, %cond3A : i32
      scf.if %cond3A_149 {
        %dma_wait3A_177 = arith.constant 0 : i32
        %dma_wait3A_178 = arith.constant 0 : i32
        %dma_wait3A_179 = tpu.memref_slice %arg10[%and3A_115, %dma_wait3A_177, %dma_wait3A_178] : memref<2x8x2048xf32, #tpu.memory_space<vmem>> -> memref<1x8x2048xf32, #tpu.memory_space<vmem>>
        %dma_wait3A_180 = tpu.memref_squeeze %dma_wait3A_179 : memref<1x8x2048xf32, #tpu.memory_space<vmem>> -> memref<8x2048xf32, #tpu.memory_space<vmem>>
        %dma_wait3A_181 = arith.constant 0 : i32
        %dma_wait3A_182 = arith.constant 0 : i32
        %dma_wait3A_183 = tpu.memref_slice %arg5[%dma_wait3A_181, %dma_wait3A_182] : memref<1024x2048xf32, #tpu.memory_space<hbm>> -> memref<8x2048xf32, #tpu.memory_space<hbm>>
        %dma_wait3A_184 = tpu.memref_slice %arg12[%and3A_115] : memref<2x!tpu.dma_semaphore, #tpu.memory_space<semaphore_mem>> -> memref<1x!tpu.dma_semaphore, #tpu.memory_space<semaphore_mem>>
        %dma_wait3A_185 = tpu.memref_squeeze %dma_wait3A_184 : memref<1x!tpu.dma_semaphore, #tpu.memory_space<semaphore_mem>> -> memref<!tpu.dma_semaphore, #tpu.memory_space<semaphore_mem>>
        %dma_wait3A_186 = arith.constant 0 : i32
        %dma_wait3A_187 = arith.constant 0 : i32
        %dma_wait3A_188 = tpu.memref_slice %arg5[%dma_wait3A_186, %dma_wait3A_187] : memref<1024x2048xf32, #tpu.memory_space<hbm>> -> memref<8x2048xf32, #tpu.memory_space<hbm>>
        %dma_wait3A_189 = arith.constant 0 : i32
        %dma_wait3A_190 = arith.constant 0 : i32
        %dma_wait3A_191 = tpu.memref_slice %arg10[%and3A_115, %dma_wait3A_189, %dma_wait3A_190] : memref<2x8x2048xf32, #tpu.memory_space<vmem>> -> memref<1x8x2048xf32, #tpu.memory_space<vmem>>
        %dma_wait3A_192 = tpu.memref_squeeze %dma_wait3A_191 : memref<1x8x2048xf32, #tpu.memory_space<vmem>> -> memref<8x2048xf32, #tpu.memory_space<vmem>>
        tpu.wait_dma2 semaphore(%dma_wait3A_185 : memref<!tpu.dma_semaphore, #tpu.memory_space<semaphore_mem>>) src(%dma_wait3A_192 : memref<8x2048xf32, #tpu.memory_space<vmem>>) dst(%dma_wait3A_188 : memref<8x2048xf32, #tpu.memory_space<hbm>>)
      } else {
      }
      %parallel_loop3A_150 = arith.constant 0 : i32
      %parallel_loop3A_151 = arith.constant 16384 : i32
      %parallel_loop3A_152 = arith.constant 16 : i32
      scf.for %parallel_loop3A_177 = %parallel_loop3A_150 to %parallel_loop3A_151 step %parallel_loop3A_152  : i32 {
        %parallel_loop3A_178 = arith.constant 11 : i32
        %parallel_loop3A_179 = arith.shrsi %parallel_loop3A_177, %parallel_loop3A_178 : i32
        %parallel_loop3A_180 = arith.constant 2047 : i32
        %parallel_loop3A_181 = arith.andi %parallel_loop3A_177, %parallel_loop3A_180 : i32
        %parallel_loop3A_182 = arith.index_cast %and3A_115 : i32 to index
        %parallel_loop3A_183 = arith.index_cast %parallel_loop3A_179 : i32 to index
        %parallel_loop3A_184 = arith.index_cast %parallel_loop3A_181 : i32 to index
        %parallel_loop3A_185 = tpu.vector_load %arg8[%parallel_loop3A_182, %parallel_loop3A_183, %parallel_loop3A_184] {strides = array<i32>} : memref<2x8x2048xf32, #tpu.memory_space<vmem>>, vector<16xf32>,
        %parallel_loop3A_186 = arith.index_cast %and3A_115 : i32 to index
        %parallel_loop3A_187 = arith.index_cast %parallel_loop3A_179 : i32 to index
        %parallel_loop3A_188 = arith.index_cast %parallel_loop3A_181 : i32 to index
        %parallel_loop3A_189 = tpu.vector_load %arg9[%parallel_loop3A_186, %parallel_loop3A_187, %parallel_loop3A_188] {strides = array<i32>} : memref<2x8x2048xi32, #tpu.memory_space<vmem>>, vector<16xi32>,
        %parallel_loop3A_190 = arith.constant 5.000000e+01 : f32
        %parallel_loop3A_191 = vector.broadcast %parallel_loop3A_190 : f32 to vector<16xf32>
        %parallel_loop3A_192 = arith.mulf %parallel_loop3A_185, %parallel_loop3A_191 : vector<16xf32>
        %parallel_loop3A_193 = arith.fptosi %parallel_loop3A_192 : vector<16xf32> to vector<16xi32>
        %parallel_loop3A_194 = arith.constant 64 : i32
        %parallel_loop3A_195 = vector.broadcast %parallel_loop3A_194 : i32 to vector<16xi32>
        %parallel_loop3A_196 = arith.muli %parallel_loop3A_189, %parallel_loop3A_195 : vector<16xi32>
        %parallel_loop3A_197 = arith.addi %parallel_loop3A_196, %parallel_loop3A_193 : vector<16xi32>
        %parallel_loop3A_198 = tpu.vector_load_idx %arg6[%parallel_loop3A_197] : memref<2048xf32, #tpu.memory_space<vmem>>[vector<16xi32>], vector<16xf32>,
        %parallel_loop3A_199 = arith.constant 1 : i32
        %parallel_loop3A_200 = vector.broadcast %parallel_loop3A_199 : i32 to vector<16xi32>
        %parallel_loop3A_201 = arith.addi %parallel_loop3A_197, %parallel_loop3A_200 : vector<16xi32>
        %parallel_loop3A_202 = tpu.vector_load_idx %arg6[%parallel_loop3A_201] : memref<2048xf32, #tpu.memory_space<vmem>>[vector<16xi32>], vector<16xf32>,
        %parallel_loop3A_203 = arith.sitofp %parallel_loop3A_193 : vector<16xi32> to vector<16xf32>
        %parallel_loop3A_204 = arith.subf %parallel_loop3A_192, %parallel_loop3A_203 : vector<16xf32>
        %parallel_loop3A_205 = arith.subf %parallel_loop3A_202, %parallel_loop3A_198 : vector<16xf32>
        %parallel_loop3A_206 = arith.mulf %parallel_loop3A_205, %parallel_loop3A_204 : vector<16xf32>
        %parallel_loop3A_207 = arith.addf %parallel_loop3A_198, %parallel_loop3A_206 : vector<16xf32>
        %parallel_loop3A_208 = arith.index_cast %and3A_115 : i32 to index
        %parallel_loop3A_209 = arith.index_cast %parallel_loop3A_179 : i32 to index
        %parallel_loop3A_210 = arith.index_cast %parallel_loop3A_181 : i32 to index
        %parallel_loop3A_211 = tpu.vector_load %arg10[%parallel_loop3A_208, %parallel_loop3A_209, %parallel_loop3A_210] {strides = array<i32>} : memref<2x8x2048xf32, #tpu.memory_space<vmem>>, vector<16xf32>,
        tpu.vector_store %arg10[%parallel_loop3A_208, %parallel_loop3A_209, %parallel_loop3A_210], %parallel_loop3A_207 {strides = array<i32>} : memref<2x8x2048xf32, #tpu.memory_space<vmem>>, vector<16xf32>,
      } {sc.loop_unroll_factor = 8 : i64, sc.parallel_access}
      %mul3A_153 = arith.constant 8 : i32
      %mul3A_154 = arith.muli %scan3A_113, %mul3A_153 : i32
      %add3A_155 = arith.addi %mul3A_2, %mul3A_154 : i32
      %dma_start3A_156 = arith.constant 0 : i32
      %dma_start3A_157 = arith.constant 0 : i32
      %dma_start3A_158 = tpu.memref_slice %arg10[%and3A_115, %dma_start3A_156, %dma_start3A_157] : memref<2x8x2048xf32, #tpu.memory_space<vmem>> -> memref<1x8x2048xf32, #tpu.memory_space<vmem>>
      %dma_start3A_159 = tpu.memref_squeeze %dma_start3A_158 : memref<1x8x2048xf32, #tpu.memory_space<vmem>> -> memref<8x2048xf32, #tpu.memory_space<vmem>>
      %dma_start3A_160 = arith.constant 0 : i32
      %dma_start3A_161 = tpu.memref_slice %arg5[%add3A_155, %dma_start3A_160] : memref<1024x2048xf32, #tpu.memory_space<hbm>> -> memref<8x2048xf32, #tpu.memory_space<hbm>>
      %dma_start3A_162 = tpu.memref_slice %arg12[%and3A_115] : memref<2x!tpu.dma_semaphore, #tpu.memory_space<semaphore_mem>> -> memref<1x!tpu.dma_semaphore, #tpu.memory_space<semaphore_mem>>
      %dma_start3A_163 = tpu.memref_squeeze %dma_start3A_162 : memref<1x!tpu.dma_semaphore, #tpu.memory_space<semaphore_mem>> -> memref<!tpu.dma_semaphore, #tpu.memory_space<semaphore_mem>>
      %dma_start3A_164 = arith.constant 0 : i32
      %dma_start3A_165 = tpu.memref_slice %arg5[%add3A_155, %dma_start3A_164] : memref<1024x2048xf32, #tpu.memory_space<hbm>> -> memref<8x2048xf32, #tpu.memory_space<hbm>>
      %dma_start3A_166 = arith.constant 0 : i32
      %dma_start3A_167 = arith.constant 0 : i32
      %dma_start3A_168 = tpu.memref_slice %arg10[%and3A_115, %dma_start3A_166, %dma_start3A_167] : memref<2x8x2048xf32, #tpu.memory_space<vmem>> -> memref<1x8x2048xf32, #tpu.memory_space<vmem>>
      %dma_start3A_169 = tpu.memref_squeeze %dma_start3A_168 : memref<1x8x2048xf32, #tpu.memory_space<vmem>> -> memref<8x2048xf32, #tpu.memory_space<vmem>>
      tpu.enqueue_dma source(%dma_start3A_169 : memref<8x2048xf32, #tpu.memory_space<vmem>>) target(%dma_start3A_165 : memref<8x2048xf32, #tpu.memory_space<hbm>>) target_semaphore(%dma_start3A_163 : memref<!tpu.dma_semaphore, #tpu.memory_space<semaphore_mem>>)
      %add3A_170 = arith.constant 2 : i32
      %add3A_171 = arith.addi %scan3A_113, %add3A_170 : i32
      %lt3A = arith.constant 4 : i32
      %lt3A_172 = arith.cmpi slt, %add3A_171, %lt3A : i32
      %convert_element_type3A_173 = arith.extui %lt3A_172 : i1 to i32
      %cond3A_174 = arith.constant 0 : i32
      %cond3A_175 = arith.cmpi ne, %convert_element_type3A_173, %cond3A_174 : i32
      scf.if %cond3A_175 {
        %add3A_177 = arith.constant 2 : i32
        %add3A_178 = arith.addi %scan3A_113, %add3A_177 : i32
        %mul3A_179 = arith.constant 8 : i32
        %mul3A_180 = arith.muli %add3A_178, %mul3A_179 : i32
        %add3A_181 = arith.addi %mul3A_2, %mul3A_180 : i32
        %dma_start3A_182 = arith.constant 0 : i32
        %dma_start3A_183 = arith.constant 0 : i32
        %dma_start3A_184 = tpu.memref_slice %arg8[%and3A_115, %dma_start3A_182, %dma_start3A_183] : memref<2x8x2048xf32, #tpu.memory_space<vmem>> -> memref<1x8x2048xf32, #tpu.memory_space<vmem>>
        %dma_start3A_185 = tpu.memref_squeeze %dma_start3A_184 : memref<1x8x2048xf32, #tpu.memory_space<vmem>> -> memref<8x2048xf32, #tpu.memory_space<vmem>>
        %dma_start3A_186 = arith.constant 0 : i32
        %dma_start3A_187 = tpu.memref_slice %arg2[%add3A_181, %dma_start3A_186] : memref<1024x2048xf32, #tpu.memory_space<hbm>> -> memref<8x2048xf32, #tpu.memory_space<hbm>>
        %dma_start3A_188 = tpu.memref_slice %arg11[%and3A_115] : memref<2x!tpu.dma_semaphore, #tpu.memory_space<semaphore_mem>> -> memref<1x!tpu.dma_semaphore, #tpu.memory_space<semaphore_mem>>
        %dma_start3A_189 = tpu.memref_squeeze %dma_start3A_188 : memref<1x!tpu.dma_semaphore, #tpu.memory_space<semaphore_mem>> -> memref<!tpu.dma_semaphore, #tpu.memory_space<semaphore_mem>>
        %dma_start3A_190 = arith.constant 0 : i32
        %dma_start3A_191 = arith.constant 0 : i32
        %dma_start3A_192 = tpu.memref_slice %arg8[%and3A_115, %dma_start3A_190, %dma_start3A_191] : memref<2x8x2048xf32, #tpu.memory_space<vmem>> -> memref<1x8x2048xf32, #tpu.memory_space<vmem>>
        %dma_start3A_193 = tpu.memref_squeeze %dma_start3A_192 : memref<1x8x2048xf32, #tpu.memory_space<vmem>> -> memref<8x2048xf32, #tpu.memory_space<vmem>>
        %dma_start3A_194 = arith.constant 0 : i32
        %dma_start3A_195 = tpu.memref_slice %arg2[%add3A_181, %dma_start3A_194] : memref<1024x2048xf32, #tpu.memory_space<hbm>> -> memref<8x2048xf32, #tpu.memory_space<hbm>>
        tpu.enqueue_dma source(%dma_start3A_195 : memref<8x2048xf32, #tpu.memory_space<hbm>>) target(%dma_start3A_193 : memref<8x2048xf32, #tpu.memory_space<vmem>>) target_semaphore(%dma_start3A_189 : memref<!tpu.dma_semaphore, #tpu.memory_space<semaphore_mem>>)
        %dma_start3A_196 = arith.constant 0 : i32
        %dma_start3A_197 = arith.constant 0 : i32
        %dma_start3A_198 = tpu.memref_slice %arg9[%and3A_115, %dma_start3A_196, %dma_start3A_197] : memref<2x8x2048xi32, #tpu.memory_space<vmem>> -> memref<1x8x2048xi32, #tpu.memory_space<vmem>>
        %dma_start3A_199 = tpu.memref_squeeze %dma_start3A_198 : memref<1x8x2048xi32, #tpu.memory_space<vmem>> -> memref<8x2048xi32, #tpu.memory_space<vmem>>
        %dma_start3A_200 = arith.constant 0 : i32
        %dma_start3A_201 = tpu.memref_slice %arg3[%add3A_181, %dma_start3A_200] : memref<1024x2048xi32, #tpu.memory_space<hbm>> -> memref<8x2048xi32, #tpu.memory_space<hbm>>
        %dma_start3A_202 = tpu.memref_slice %arg11[%and3A_115] : memref<2x!tpu.dma_semaphore, #tpu.memory_space<semaphore_mem>> -> memref<1x!tpu.dma_semaphore, #tpu.memory_space<semaphore_mem>>
        %dma_start3A_203 = tpu.memref_squeeze %dma_start3A_202 : memref<1x!tpu.dma_semaphore, #tpu.memory_space<semaphore_mem>> -> memref<!tpu.dma_semaphore, #tpu.memory_space<semaphore_mem>>
        %dma_start3A_204 = arith.constant 0 : i32
        %dma_start3A_205 = arith.constant 0 : i32
        %dma_start3A_206 = tpu.memref_slice %arg9[%and3A_115, %dma_start3A_204, %dma_start3A_205] : memref<2x8x2048xi32, #tpu.memory_space<vmem>> -> memref<1x8x2048xi32, #tpu.memory_space<vmem>>
        %dma_start3A_207 = tpu.memref_squeeze %dma_start3A_206 : memref<1x8x2048xi32, #tpu.memory_space<vmem>> -> memref<8x2048xi32, #tpu.memory_space<vmem>>
        %dma_start3A_208 = arith.constant 0 : i32
        %dma_start3A_209 = tpu.memref_slice %arg3[%add3A_181, %dma_start3A_208] : memref<1024x2048xi32, #tpu.memory_space<hbm>> -> memref<8x2048xi32, #tpu.memory_space<hbm>>
        tpu.enqueue_dma source(%dma_start3A_209 : memref<8x2048xi32, #tpu.memory_space<hbm>>) target(%dma_start3A_207 : memref<8x2048xi32, #tpu.memory_space<vmem>>) target_semaphore(%dma_start3A_203 : memref<!tpu.dma_semaphore, #tpu.memory_space<semaphore_mem>>)
      } else {
      }
      %scan3A_176 = arith.constant 0 : i32
      scf.yield %scan3A_176 : i32
    }
    %scan3A_77 = arith.constant 4 : i32
    %dma_wait3A = arith.constant 0 : i32
    %dma_wait3A_78 = arith.constant 0 : i32
    %dma_wait3A_79 = arith.constant 0 : i32
    %dma_wait3A_80 = arith.constant 0 : i32
    %dma_wait3A_81 = tpu.memref_slice %arg10[%dma_wait3A, %dma_wait3A_79, %dma_wait3A_80] : memref<2x8x2048xf32, #tpu.memory_space<vmem>> -> memref<1x8x2048xf32, #tpu.memory_space<vmem>>
    %dma_wait3A_82 = tpu.memref_squeeze %dma_wait3A_81 : memref<1x8x2048xf32, #tpu.memory_space<vmem>> -> memref<8x2048xf32, #tpu.memory_space<vmem>>
    %dma_wait3A_83 = arith.constant 0 : i32
    %dma_wait3A_84 = arith.constant 0 : i32
    %dma_wait3A_85 = tpu.memref_slice %arg5[%dma_wait3A_83, %dma_wait3A_84] : memref<1024x2048xf32, #tpu.memory_space<hbm>> -> memref<8x2048xf32, #tpu.memory_space<hbm>>
    %dma_wait3A_86 = tpu.memref_slice %arg12[%dma_wait3A_78] : memref<2x!tpu.dma_semaphore, #tpu.memory_space<semaphore_mem>> -> memref<1x!tpu.dma_semaphore, #tpu.memory_space<semaphore_mem>>
    %dma_wait3A_87 = tpu.memref_squeeze %dma_wait3A_86 : memref<1x!tpu.dma_semaphore, #tpu.memory_space<semaphore_mem>> -> memref<!tpu.dma_semaphore, #tpu.memory_space<semaphore_mem>>
    %dma_wait3A_88 = arith.constant 0 : i32
    %dma_wait3A_89 = arith.constant 0 : i32
    %dma_wait3A_90 = tpu.memref_slice %arg5[%dma_wait3A_88, %dma_wait3A_89] : memref<1024x2048xf32, #tpu.memory_space<hbm>> -> memref<8x2048xf32, #tpu.memory_space<hbm>>
    %dma_wait3A_91 = arith.constant 0 : i32
    %dma_wait3A_92 = arith.constant 0 : i32
    %dma_wait3A_93 = tpu.memref_slice %arg10[%dma_wait3A, %dma_wait3A_91, %dma_wait3A_92] : memref<2x8x2048xf32, #tpu.memory_space<vmem>> -> memref<1x8x2048xf32, #tpu.memory_space<vmem>>
    %dma_wait3A_94 = tpu.memref_squeeze %dma_wait3A_93 : memref<1x8x2048xf32, #tpu.memory_space<vmem>> -> memref<8x2048xf32, #tpu.memory_space<vmem>>
    tpu.wait_dma2 semaphore(%dma_wait3A_87 : memref<!tpu.dma_semaphore, #tpu.memory_space<semaphore_mem>>) src(%dma_wait3A_94 : memref<8x2048xf32, #tpu.memory_space<vmem>>) dst(%dma_wait3A_90 : memref<8x2048xf32, #tpu.memory_space<hbm>>)
    %dma_wait3A_95 = arith.constant 1 : i32
    %dma_wait3A_96 = arith.constant 1 : i32
    %dma_wait3A_97 = arith.constant 0 : i32
    %dma_wait3A_98 = arith.constant 0 : i32
    %dma_wait3A_99 = tpu.memref_slice %arg10[%dma_wait3A_95, %dma_wait3A_97, %dma_wait3A_98] : memref<2x8x2048xf32, #tpu.memory_space<vmem>> -> memref<1x8x2048xf32, #tpu.memory_space<vmem>>
    %dma_wait3A_100 = tpu.memref_squeeze %dma_wait3A_99 : memref<1x8x2048xf32, #tpu.memory_space<vmem>> -> memref<8x2048xf32, #tpu.memory_space<vmem>>
    %dma_wait3A_101 = arith.constant 0 : i32
    %dma_wait3A_102 = arith.constant 0 : i32
    %dma_wait3A_103 = tpu.memref_slice %arg5[%dma_wait3A_101, %dma_wait3A_102] : memref<1024x2048xf32, #tpu.memory_space<hbm>> -> memref<8x2048xf32, #tpu.memory_space<hbm>>
    %dma_wait3A_104 = tpu.memref_slice %arg12[%dma_wait3A_96] : memref<2x!tpu.dma_semaphore, #tpu.memory_space<semaphore_mem>> -> memref<1x!tpu.dma_semaphore, #tpu.memory_space<semaphore_mem>>
    %dma_wait3A_105 = tpu.memref_squeeze %dma_wait3A_104 : memref<1x!tpu.dma_semaphore, #tpu.memory_space<semaphore_mem>> -> memref<!tpu.dma_semaphore, #tpu.memory_space<semaphore_mem>>
    %dma_wait3A_106 = arith.constant 0 : i32
    %dma_wait3A_107 = arith.constant 0 : i32
    %dma_wait3A_108 = tpu.memref_slice %arg5[%dma_wait3A_106, %dma_wait3A_107] : memref<1024x2048xf32, #tpu.memory_space<hbm>> -> memref<8x2048xf32, #tpu.memory_space<hbm>>
    %dma_wait3A_109 = arith.constant 0 : i32
    %dma_wait3A_110 = arith.constant 0 : i32
    %dma_wait3A_111 = tpu.memref_slice %arg10[%dma_wait3A_95, %dma_wait3A_109, %dma_wait3A_110] : memref<2x8x2048xf32, #tpu.memory_space<vmem>> -> memref<1x8x2048xf32, #tpu.memory_space<vmem>>
    %dma_wait3A_112 = tpu.memref_squeeze %dma_wait3A_111 : memref<1x8x2048xf32, #tpu.memory_space<vmem>> -> memref<8x2048xf32, #tpu.memory_space<vmem>>
    tpu.wait_dma2 semaphore(%dma_wait3A_105 : memref<!tpu.dma_semaphore, #tpu.memory_space<semaphore_mem>>) src(%dma_wait3A_112 : memref<8x2048xf32, #tpu.memory_space<vmem>>) dst(%dma_wait3A_108 : memref<8x2048xf32, #tpu.memory_space<hbm>>)
    return
  }
}

</mosaic_0001>

<sc_bundles>
// kernel: kernel.3.cloned.1.call-start
scs
__scs_entry_jumppad:
0x0: {  	(pc) =	sbr.rel $0x88, $3  }
0x1: {  	(tag) =	ssettag $0x0;
	lr =	simm.s32 $0x1  }
0x2: {  	[smem:$0x3F9E] =	sst lr;
	_ =	strace $0xD0000000  }
0x3: {  	_ = 	snop  }
0x4: {  	_ = 	snop  }
0x5: {  	_ = 	snop  }
0x6: {  	_ = 	snop  }
0x7: {  	_ = 	snop  }
__scs_overlays_trampoline_lowered:
0x8: {  	[smem:$0x3FAD] =	sst s0  }
0x9: {  	[smem:$0x3FAE] =	sst s1  }
0xa: {  	[smem:$0x3FAF] =	sst s2  }
0xb: {  	[smem:$0x3FB0] =	sst s3  }
0xc: {  	[smem:$0x3FB1] =	sst s4  }
0xd: {  	[smem:$0x3FB2] =	sst s5  }
0xe: {  	[smem:$0x3FB3] =	sst s6  }
0xf: {  	[smem:$0x3FB4] =	sst s7  }
0x10: {  	[smem:$0x3FB5] =	sst s8  }
0x11: {  	[smem:$0x3FB6] =	sst s9;
	s0 =	simm.s32 @!p0 $0x0  }
0x12: {  	s1 =	sld [smem:$0x3F9C];
	s0 =	simm.s32 @p0 $0x1  }
0x13: {  	[smem:$0x3FB7] =	sst s0;
	s0 =	simm.s32 @!p1 $0x0  }
0x14: {  	s2 =	sld [smem:$0x3F9B];
	s0 =	simm.s32 @p1 $0x1  }
0x15: {  	[smem:$0x3FB8] =	sst s0;
	s0 =	simm.s32 @!p2 $0x0  }
0x16: {  	s3 =	sld [smem:$0x3FDB];
	s0 =	simm.s32 @p2 $0x1  }
0x17: {  	s4 =	simm.s32 $0x1BF5;
	[smem:$0x3FBA] =	sst s0  }
0x18: {  	s0 =	sld [smem:$0x3F9D];
	_ =	swait.ge [sflag:s4], $0x0  }
0x19: {  	s7 =	sld [smem:$0x3F9E]  }
0x1a: {  	s8 =	sadd.s32 $0xFFFFE003, lr  }
0x1b: {  	s9 =	sadd.s32 $0xFFFFFEF7, lr;
	s5 =	simm.s32 $0xFFFFFFFF;
	p2 =	slt.u32 s8, $0xFFFFF086  }
0x1c: {  	p1 =	slt.u32 s9, $0xF7A;
	s5 =	simm.s32 @!p2 $0x0  }
0x1d: {  	s5 =	simm.s32 @p1 $0x1;
	p0 =	seq.s32 s7, s2  }
0x1e: {  	s7 =	smul.u32 @!p0 $0xF7A, s2;
	p2 =	seq.s32 @!p0 s5, $0x0  }
0x1f: {  	s9 =	smul.u32 $0xF7A, s1;
	s8 =	simm.s32 @!p0 $0x1BF5;
	p2 =	por !p2, p0  }
0x20: {  	[sflag:s8] =	ssyncset.s32 @!p0 $0xFFFFF086;
	s6 =	sadd.s32 @!p0 s3, s7;
	s7 =	simm.s32 @!p0 $0x108  }
0x21: {  	s3 =	sadd.s32 s3, s9;
	s6 =	sadd.s32 @!p0 $0x88, s6;
	s7 =	simm.s32 @p2 $0x1082  }
0x22: {  	[simem:s7], [sflag:s8] =	dma.local @!p0 [hbm:s6], $0xF7A  }
0x23: {  	s9 =	sor.u32 $0xD0000000, s2;
	s6 =	simm.s32 $0x108;
	_ =	swait.ge @!p0 [sflag:s8], $0x0  }
0x24: {  	s3 =	sadd.s32 $0x88, s3;
	s6 =	simm.s32 @!p1 $0x1082;
	[sflag:s4] =	ssyncset.s32 $0xFFFFF086  }
0x25: {  	[simem:s6], [sflag:s4] =	dma.local [hbm:s3], $0xF7A  }
0x26: {  	[smem:$0x3F9E] =	sst s1;
	(tag) =	ssettag s2;
	_ =	strace s9  }
0x27: {  	s1 =	sld [smem:$0x3FAE]  }
0x28: {  	s2 =	sld [smem:$0x3FAF]  }
0x29: {  	s4 =	sld [smem:$0x3FB1]  }
0x2a: {  	p0 =	seq.s32 s5, $0x0;
	s5 =	sld [smem:$0x3FB2]  }
0x2b: {  	s6 =	sld [smem:$0x3FB3]  }
0x2c: {  	s7 =	sld [smem:$0x3FB4]  }
0x2d: {  	s3 =	simm.s32 $0x108;
	s8 =	sld [smem:$0x3FB5]  }
0x2e: {  	s3 =	simm.s32 @!p0 $0x1082;
	s9 =	sld [smem:$0x3FB6]  }
0x2f: {  	lr =	sadd.s32 s0, s3;
	s0 =	sld [smem:$0x3FAD]  }
0x30: {  	s3 =	sld [smem:$0x3FB0]  }
0x31: {  	[smem:$0x3FB9] =	sst s10  }
0x32: {  	s10 =	sld [smem:$0x3FB7];
	_ =	sdelay $0x3  }
0x33: {  	p0 =	seq.s32 s10, $0x1;
	s10 =	sld [smem:$0x3FB9];
	_ =	sdelay $0x3  }
0x34: {  	[smem:$0x3FB9] =	sst s10  }
0x35: {  	s10 =	sld [smem:$0x3FB8];
	_ =	sdelay $0x3  }
0x36: {  	p1 =	seq.s32 s10, $0x1;
	s10 =	sld [smem:$0x3FB9];
	_ =	sdelay $0x3  }
0x37: {  	[smem:$0x3FB9] =	sst s10  }
0x38: {  	s10 =	sld [smem:$0x3FBA]  }
0x39: {  	_ = 	snop;
	(pc) =	sbr.ind lr, $3  }
0x3a: {  	_ = 	snop  }
0x3b: {  	_ = 	snop  }
0x3c: {  	p2 =	seq.s32 s10, $0x1;
	s10 =	sld [smem:$0x3FB9]  }
0x3d: {  	_ =	shalt  }
0x3e: {  	_ =	shalt  }
0x3f: {  	_ =	shalt  }
0x40: {  	_ =	shalt  }
0x41: {  	_ =	shalt  }
0x42: {  	_ =	shalt  }
0x43: {  	_ =	shalt  }
0x44: {  	_ =	shalt  }
0x45: {  	_ =	shalt  }
0x46: {  	_ =	shalt  }
0x47: {  	_ =	shalt  }
0x48: {  	_ =	shalt  }
0x49: {  	_ =	shalt  }
0x4a: {  	_ =	shalt  }
0x4b: {  	_ =	shalt  }
0x4c: {  	_ =	shalt  }
0x4d: {  	_ =	shalt  }
0x4e: {  	_ =	shalt  }
0x4f: {  	_ =	shalt  }
0x50: {  	_ =	shalt  }
0x51: {  	_ =	shalt  }
0x52: {  	_ =	shalt  }
0x53: {  	_ =	shalt  }
0x54: {  	_ =	shalt  }
0x55: {  	_ =	shalt  }
0x56: {  	_ =	shalt  }
0x57: {  	_ =	shalt  }
0x58: {  	_ =	shalt  }
0x59: {  	_ =	shalt  }
0x5a: {  	_ =	shalt  }
0x5b: {  	_ =	shalt  }
0x5c: {  	_ =	shalt  }
0x5d: {  	_ =	shalt  }
0x5e: {  	_ =	shalt  }
0x5f: {  	_ =	shalt  }
0x60: {  	_ =	shalt  }
0x61: {  	_ =	shalt  }
0x62: {  	_ =	shalt  }
0x63: {  	_ =	shalt  }
0x64: {  	_ =	shalt  }
0x65: {  	_ =	shalt  }
0x66: {  	_ =	shalt  }
0x67: {  	_ =	shalt  }
0x68: {  	_ =	shalt  }
0x69: {  	_ =	shalt  }
0x6a: {  	_ =	shalt  }
0x6b: {  	_ =	shalt  }
0x6c: {  	_ =	shalt  }
0x6d: {  	_ =	shalt  }
0x6e: {  	_ =	shalt  }
0x6f: {  	_ =	shalt  }
0x70: {  	_ =	shalt  }
0x71: {  	_ =	shalt  }
0x72: {  	_ =	shalt  }
0x73: {  	_ =	shalt  }
0x74: {  	_ =	shalt  }
0x75: {  	_ =	shalt  }
0x76: {  	_ =	shalt  }
0x77: {  	_ =	shalt  }
0x78: {  	_ =	shalt  }
0x79: {  	_ =	shalt  }
0x7a: {  	_ =	shalt  }
0x7b: {  	_ =	shalt  }
0x7c: {  	_ =	shalt  }
0x7d: {  	_ =	shalt  }
0x7e: {  	_ =	shalt  }
0x7f: {  	_ =	shalt  }
0x80: {  	_ =	shalt  }
0x81: {  	_ =	shalt  }
0x82: {  	_ =	shalt  }
0x83: {  	_ =	shalt  }
0x84: {  	_ =	shalt  }
0x85: {  	_ =	shalt  }
0x86: {  	_ =	shalt  }
0x87: {  	_ =	shalt  }
.Lfunc_end0:
.L_simem_size_0:
called_computation_lowered:
.L_overlay_start_0:
0x88: {  	s2 =	sld [smem:$0x3FD9]  }
0x89: {  	s3 =	sld [smem:$0x3FFE];
	_ =	sdelay $0x1  }
0x8a: {  	s1 =	srdreg.scid  }
0x8b: {  	s0 =	sand.u32 $0x1, s1  }
0x8c: {  	s18 =	sshll.u32 s0, $0xA;
	s2 =	sadd.s32 s3, s2  }
0x8d: {  	s2 =	sadd.s32 s2, s18  }
0x8e: {  	[smem:$0x3FC5] =	sst s2  }
0x8f: {  	_ = 	snop  }
0x90: {  	s2 =	sld [smem:$0x3FC9]  }
0x91: {  	s19 =	sld [smem:$0x3FC8]  }
0x92: {  	s4 =	sld [smem:$0x3FC7]  }
0x93: {  	s5 =	sld [smem:$0x3FD0];
	(tm) =	ssettm $0x1  }
0x94: {  	s6 =	sld [smem:$0x3FFB];
	_ =	sdelay $0x3  }
0x95: {  	_ =	strace s6  }
0x96: {  	s6 =	sld [smem:$0x3FFC];
	_ =	sdelay $0x3  }
0x97: {  	_ =	strace s6  }
0x98: {  	s6 =	sld [smem:$0x3FFD];
	_ =	sdelay $0x3  }
0x99: {  	_ =	strace s6  }
0x9a: {  	_ =	strace $0x8FFFFFFF  }
0x9b: {  	s20 =	sld [smem:$0x3FDB];
	_ =	sdelay $0x1  }
0x9c: {  	s7 =	simm.s32 $_scs_section_size  }
0x9d: {  	s8 =	simm.s32 $_size__tile_overlayer_lowered;
	s9 =	simm.s32 $_tile_overlayer_lowered  }
0x9e: {  	s23 =	simm.s32 $0x1BFF;
	s22 =	sshll.u32 s9, $0x1;
	s6 =	sadd.s32 s7, s20  }
0x9f: {  	s10 =	simm.s32 $0x0;
	s21 =	sshll.u32 s8, $0x1;
	s8 =	sadd.s32 s22, s6  }
0xa0: {  	[timem:s10], [sflag:s23] =	dma.local [hbm:s8], s21  }
0xa1: {  	_ =	swait.ge [sflag:s23], s21  }
0xa2: {  	s7 =	ssub.s32 $0x0, s21;
	[sflag:s23] =	ssyncset.done $0x0  }
0xa3: {  	[sflag:s23] =	ssyncadd.s32 s7;
	_ =	sdelay $0x1  }
0xa4: {  	s24 =	simm.s32 $0x1B8B  }
0xa5: {  	_ =	swait.ge [sflag:s24], $0x1  }
0xa6: {  	[sflag:s24] =	ssyncset.done $0x0  }
0xa7: {  	s25 =	simm.s32 $0x1B8E;
	[sflag:s24] =	ssyncadd.s32 $0xFFFFFFFF  }
0xa8: {  	s26 =	simm.s32 $execute0_lowered;
	[smem:$0x3FD2] =	sst s25  }
0xa9: {  	s7 =	sshll.u32 s26, $0x1;
	_ =	strace $0x80000046;
	[dreg:$0x1] =	wrdreg $0xFFFFFFFF  }
0xaa: {  	s28 =	simm.s32 $_size_execute0_lowered;
	s6 =	sadd.s32 s6, s7;
	[dreg:$0x0] =	wrdreg $0x0  }
0xab: {  	s7 =	sshll.u32 s28, $0x1;
	[dreg:$0x2] =	wrdreg s6  }
0xac: {  	[dreg:$0x3] =	wrdreg s7  }
0xad: {  	[dreg:$0x4] =	wrdreg $0xC0  }
0xae: {  	_ =	task [dreg:s10], $0x5FFFF  }
0xaf: {  	[dreg:$0x1] =	wrdreg $0xFFFFFFFF  }
0xb0: {  	[dreg:$0x0] =	wrdreg $0x60  }
0xb1: {  	[dreg:$0x2] =	wrdreg s2  }
0xb2: {  	[dreg:$0x3] =	wrdreg s19  }
0xb3: {  	[dreg:$0x4] =	wrdreg s4  }
0xb4: {  	[dreg:$0x5] =	wrdreg s5  }
0xb5: {  	[dreg:$0x6] =	wrdreg $0x9  }
0xb6: {  	_ =	task.clear_ibuf [dreg:s10], $0x7FFFF;
	_ =	strace $0x90000046  }
0xb7: {  	s29 =	simm.s32 $0x9;
	_ =	strace $0x80000048  }
0xb8: {  	_ =	swait.ge [sflag:s29], $0x1  }
0xb9: {  	[sflag:s29] =	ssyncadd.s32 $0xFFFFFFFF  }
0xba: {  	_ =	strace $0x90000048  }
0xbb: {  	_ =	sfence  }
0xbc: {  	s30 =	sld [smem:$0x0];
	_ =	sdelay $0x2  }
0xbd: {  	s31 =	sshll.u32 s1, $0xD;
	s1 =	sshrl.u32 s1, $0x2  }
0xbe: {  	s3 =	sand.u32 $0x4000, s31;
	s1 =	sadd.s32 s1, s30  }
0xbf: {  	s0 =	sor.u32 s3, s0;
	s1 =	sshll.u32 s1, $0x11  }
0xc0: {  	s0 =	sor.u32 s1, s0  }
0xc1: {  	s0 =	sadd.s32 $0x8F2B, s0  }
0xc2: {  	[sflag:s0] =	ssyncadd.remote.s32 $0x1  }
0xc3: {  	_ =	sfence.sel $0xFFFF  }
0xc4: {  	[dreg:$0x0] =	wrdreg $0xFFFFFFFF;
	(pc) =	sbr.abs _section_cstart, $3  }
0xc5: {  	[dreg:$0x1] =	wrdreg $0xFFFFFFFF  }
0xc6: {  	_ =	task.clear_ibuf [dreg:s10], $0x2FFFF;
	_ =	strace $0x9FFFFFFF  }
0xc7: {  	(tm) =	ssettm $0x7FFFFFFF  }
tec
execute0_lowered:
.L_overlay_start_1:
0x0: {  	(tag) =	ssettag $0x1  }
0x1: {  	s0 =	rddreg [dreg:$0x0]  }
0x2: {  	s3 =	rddreg [dreg:$0x1];
	s1 =	srdreg.scid  }
0x3: {  	s5 =	rddreg [dreg:$0x3];
	s2 =	stileid.u32;
	s6 =	simm.s32 $0x0  }
0x4: {  	s15 =	simm.s32 $0x800;
	s16 =	simm.s32 $0x5;
	s17 =	simm.s32 $0x5800  }
0x5: {  	s18 =	simm.s32 $0xD800;
	s19 =	simm.s32 $0x3;
	s20 =	simm.s32 $0x4  }
0x6: {  	s21 =	simm.s32 $0x0;
	s1 =	sand.u32 $0x1, s1;
	s2 =	sshll.u32 s2, $0x6  }
0x7: {  	[smem:$0x7FF] =	sst s6;
	s4 =	sshll.u32 s1, $0x5;
	s1 =	ssub.s32 $0x2, s1  }
0x8: {  	_ =	strace $0x80000047;
	s2 =	sor.u32 s4, s2;
	s30 =	sshrl.u32 s1, $0x1  }
0x9: {  	s8 =	sshll.u32 s2, $0x8;
	s1 =	ssub.s32 s1, s30;
	s11 =	sshrl.u32 s2, $0x3  }
0xa: {  	s31 =	sor.u32 $0x800, s8;
	s7 =	sadd.s32 s0, s8;
	s8 =	sadd.s32 s3, s8  }
0xb: {  	s12 =	smax.u32 s1, $0x1;
	s9 =	sadd.s32 s0, s31;
	s10 =	sadd.s32 s3, s31  }
.LBB2_1:
0xc: {  	s1 =	simm.s32 $0x1800  }
0xd: {  	[tilespmem:s1], [sflag:$0x1] =	stream.linear.gather [hbm4b:s7+s6], $0x4000, $0x38;
	[tilespmem:$0x19800] =	vst v63  }
0xe: {  	s24 =	simm.s32 $0x9800  }
0xf: {  	[tilespmem:s24], [sflag:$0x1] =	stream.linear.gather [hbm4b:s8+s6], $0x4000, $0x38;
	[tilespmem:$0x19800] =	vst v63  }
0x10: {  	s25 =	rddreg [dreg:$0x2]  }
0x11: {  	[tilespmem:s15], [sflag:$0x5] =	stream.linear.gather [hbm4b:s25+s6], $0x1000, $0x38;
	[tilespmem:$0x19800] =	vst v63  }
0x12: {  	s26 =	simm.s32 $0x0;
	_ =	swait.ge [sflag:s16], $0x1000  }
0x13: {  	s2 =	sand.u32 $0xF80, s6;
	s1 =	sand.u32 $0x30, s26;
	[sflag:s16] =	ssyncset.done $0x0  }
0x14: {  	s1 =	sor.u32 s1, s2;
	[sflag:s16] =	ssyncadd.s32 $0xFFFFF000  }
0x15: {  	v15 =	vld [tilespmem:s1+$0x800];
	_ =	sdelay $0x4  }
0x16: {  	v0 =	vand.u32 $0x7FFFFFFF, v15  }
0x17: {  	s28 =	simm.s32 $0x10;
	s29 =	simm.s32 $0x20;
	v0 =	vsub.f32 $0.0e+00, v0  }
0x18: {  	s2 =	sand.u32 $0xF80, s29;
	s1 =	sand.u32 $0x30, s28  }
0x19: {  	s1 =	sor.u32 s1, s2;
	v0 =	vmul.f32 $1.442695020e+00, v0  }
0x1a: {  	v1 =	vld [tilespmem:s1+$0x800]  }
0x1b: {  	s30 =	simm.s32 $0x20;
	s31 =	simm.s32 $0x40;
	(erf) = vpow2.f32 v0  }
0x1c: {  	s2 =	sand.u32 $0xF80, s31;
	s1 =	sand.u32 $0x30, s30  }
0x1d: {  	s1 =	sor.u32 s1, s2  }
0x1e: {  	v0 =	vld [tilespmem:s1+$0x800]  }
0x1f: {  	v2 =	vand.u32 $0x7FFFFFFF, v1  }
0x20: {  	v2 =	vsub.f32 $0.0e+00, v2;
	_ =	sdelay $0x1  }
0x21: {  	v2 =	vmul.f32 $1.442695020e+00, v2  }
0x22: {  	s4 =	simm.s32 $0x30;
	s13 =	simm.s32 $0x60;
	v3 =	vand.u32 $0x7FFFFFFF, v0  }
0x23: {  	s2 =	sand.u32 $0xF80, s13;
	s1 =	sand.u32 $0x30, s4;
	(erf) = vpow2.f32 v2;
	v3 =	vsub.f32 $0.0e+00, v3;
	v6 =	vpop (erf)  }
0x24: {  	s1 =	sor.u32 s1, s2;
	v2 =	vmul.f32 $4.000000000e+00, v6  }
0x25: {  	v4 =	vmul.f32 $1.442695020e+00, v3;
	v3 =	vld [tilespmem:s1+$0x800]  }
0x26: {  	v2 =	vadd.f32 $6.000000000e+00, v2  }
0x27: {  	(erf) = vpow2.f32 v4  }
0x28: {  	(erf) = vrcp.f32 v2  }
0x29: {  	s14 =	simm.s32 $0x40;
	s22 =	simm.s32 $0x80  }
0x2a: {  	s2 =	sand.u32 $0xF80, s22;
	s1 =	sand.u32 $0x30, s14;
	v4 =	vand.u32 $0x7FFFFFFF, v3  }
0x2b: {  	s1 =	sor.u32 s1, s2;
	v4 =	vsub.f32 $0.0e+00, v4  }
0x2c: {  	v7 =	vpop (erf);
	v2 =	vld [tilespmem:s1+$0x800]  }
0x2d: {  	v5 =	vmul.f32 $4.000000000e+00, v7;
	v4 =	vmul.f32 $1.442695020e+00, v4  }
0x2e: {  	v8 =	vadd.f32 $6.000000000e+00, v6  }
0x2f: {  	v5 =	vadd.f32 $6.000000000e+00, v5  }
0x30: {  	v8 =	vmul.f32 v8, v6;
	v11 =	vpop (erf);
	(erf) = vpow2.f32 v4  }
0x31: {  	v9 =	vand.u32 $0x7FFFFFFF, v2;
	v4 =	vpop (erf);
	(erf) = vrcp.f32 v5  }
0x32: {  	v5 =	vsub.f32 $0.0e+00, v9;
	v8 =	vmul.f32 v4, v8  }
0x33: {  	s23 =	simm.s32 $0x50;
	s24 =	simm.s32 $0xA0;
	v4 =	vmul.f32 $4.000000000e+00, v11  }
0x34: {  	s2 =	sand.u32 $0xF80, s24;
	s1 =	sand.u32 $0x30, s23;
	v5 =	vmul.f32 $1.442695020e+00, v5;
	v9 =	vsub.f32 $0.0e+00, v8  }
0x35: {  	s1 =	sor.u32 s1, s2;
	v10 =	vadd.f32 $6.000000000e+00, v4  }
0x36: {  	v4 =	vld [tilespmem:s1+$0x800];
	(erf) = vpow2.f32 v5;
	v5 =	vmul.f32 $1.442695020e+00, v9;
	v9 =	vadd.f32 $6.000000000e+00, v7;
	_ =	sdelay $0x1  }
0x37: {  	(erf) = vrcp.f32 v10  }
0x38: {  	v24 =	vpop (erf);
	(erf) = vpow2.f32 v5;
	v5 =	vmul.f32 v9, v7  }
0x39: {  	s26 =	simm.s32 $0xC0;
	s25 =	simm.s32 $0x60;
	v9 =	vpop (erf)  }
0x3a: {  	s2 =	sand.u32 $0xF80, s26;
	s1 =	sand.u32 $0x30, s25;
	v10 =	vand.u32 $0x7FFFFFFF, v4;
	v12 =	vmul.f32 v9, v5  }
0x3b: {  	s1 =	sor.u32 s1, s2;
	v10 =	vsub.f32 $0.0e+00, v10  }
0x3c: {  	v9 =	vmul.f32 $4.000000000e+00, v24;
	v5 =	vld [tilespmem:s1+$0x800];
	v14 =	vsub.f32 $0.0e+00, v12  }
0x3d: {  	v10 =	vmul.f32 $1.442695020e+00, v10  }
0x3e: {  	v16 =	vadd.f32 $6.000000000e+00, v11;
	v9 =	vadd.f32 $6.000000000e+00, v9  }
0x3f: {  	v13 =	vpop (erf);
	(erf) = vpow2.f32 v10;
	v10 =	vmul.f32 $1.442695020e+00, v14  }
0x40: {  	v17 =	vadd.f32 $1.000000000e+00, v6;
	(erf) = vrcp.f32 v9;
	v9 =	vmul.f32 v16, v11;
	v14 =	vpop (erf)  }
0x41: {  	v8 =	vadd.f32 $-1.000000000e+00, v8;
	v16 =	vand.u32 $0x7FFFFFFF, v5;
	(erf) = vpow2.f32 v10;
	v6 =	vpop (erf)  }
0x42: {  	v10 =	vsub.f32 $0.0e+00, v16;
	v19 =	vmul.f32 v14, v9;
	v6 =	vmul.f32 v6, v17  }
0x43: {  	s29 =	simm.s32 $0xE0;
	s28 =	simm.s32 $0x70;
	v9 =	vmul.f32 $4.000000000e+00, v13  }
0x44: {  	s2 =	sand.u32 $0xF80, s29;
	s1 =	sand.u32 $0x30, s28;
	v10 =	vmul.f32 $1.442695020e+00, v10;
	v14 =	vsub.f32 $0.0e+00, v19;
	v8 =	vadd.f32 v6, v8  }
0x45: {  	s1 =	sor.u32 s1, s2;
	v9 =	vadd.f32 $6.000000000e+00, v9  }
0x46: {  	v6 =	vld [tilespmem:s1+$0x800];
	(erf) = vpow2.f32 v10;
	v10 =	vmul.f32 $1.442695020e+00, v14;
	v16 =	vsub.f32 $0.0e+00, v8;
	_ =	sdelay $0x1  }
0x47: {  	(erf) = vrcp.f32 v9;
	v9 =	vmul.f32 $1.442695020e+00, v16;
	v16 =	vadd.f32 $6.000000000e+00, v24  }
0x48: {  	(erf) = vpow2.f32 v10;
	v14 =	vpop (erf)  }
0x49: {  	v10 =	vpop (erf);
	(erf) = vpow2.f32 v9;
	v9 =	vadd.f32 $1.000000000e+00, v7;
	v7 =	vmul.f32 v16, v24  }
0x4a: {  	v12 =	vadd.f32 $-1.000000000e+00, v12;
	v16 =	vand.u32 $0x7FFFFFFF, v6;
	v18 =	vpop (erf)  }
0x4b: {  	v16 =	vsub.f32 $0.0e+00, v16;
	v20 =	vmul.f32 v18, v9;
	v18 =	vmul.f32 v10, v7  }
0x4c: {  	v21 =	vmul.f32 $4.000000000e+00, v14  }
0x4d: {  	s31 =	simm.s32 $0x100;
	s30 =	simm.s32 $0x80;
	v10 =	vadd.f32 v20, v12;
	v12 =	vmul.f32 $1.442695020e+00, v16;
	v20 =	vsub.f32 $0.0e+00, v18  }
0x4e: {  	s2 =	sand.u32 $0xF80, s31;
	s1 =	sand.u32 $0x30, s30  }
0x4f: {  	s1 =	sor.u32 s1, s2;
	v21 =	vadd.f32 $6.000000000e+00, v21;
	(erf) = vpow2.f32 v12;
	v12 =	vmul.f32 $1.442695020e+00, v20  }
0x50: {  	v7 =	vld [tilespmem:s1+$0x800];
	v16 =	vpop (erf);
	v22 =	vsub.f32 $0.0e+00, v10  }
0x51: {  	v11 =	vadd.f32 $1.000000000e+00, v11;
	(erf) = vrcp.f32 v21;
	v21 =	vadd.f32 $6.000000000e+00, v13;
	v20 =	vpop (erf)  }
0x52: {  	v22 =	vmul.f32 $1.442695020e+00, v22;
	v23 =	vpop (erf);
	(erf) = vpow2.f32 v12  }
0x53: {  	v25 =	vadd.f32 $-1.000000000e+00, v19;
	v21 =	vmul.f32 v21, v13;
	v12 =	vpop (erf);
	v23 =	vmul.f32 v23, v11  }
0x54: {  	s2 =	simm.s32 $0x120;
	v26 =	vadd.f32 $-1.000000000e+00, v8;
	s1 =	simm.s32 $0x90;
	(erf) = vpow2.f32 v22;
	v17 =	vmul.f32 v12, v17  }
0x55: {  	s22 =	sand.u32 $0xF80, s2;
	s4 =	sand.u32 $0x30, s1;
	v12 =	vand.u32 $0x7FFFFFFF, v7;
	v19 =	vmul.f32 v20, v21;
	v20 =	vmul.f32 $4.000000000e+00, v16  }
0x56: {  	s4 =	sor.u32 s4, s22;
	v27 =	vsub.f32 $0.0e+00, v12;
	v17 =	vadd.f32 v17, v26  }
0x57: {  	v8 =	vld [tilespmem:s4+$0x800];
	v12 =	vadd.f32 v23, v25;
	v20 =	vadd.f32 $6.000000000e+00, v20  }
0x58: {  	v22 =	vsub.f32 $0.0e+00, v19;
	v21 =	vmul.f32 $1.442695020e+00, v27  }
0x59: {  	v15 =	vmax.f32 v15, $0.0e+00;
	v23 =	vsub.f32 $0.0e+00, v12  }
0x5a: {  	v15 =	vadd.f32 v17, v15;
	v25 =	vmul.f32 $1.442695020e+00, v22;
	(erf) = vpow2.f32 v21;
	v17 =	vpop (erf)  }
0x5b: {  	v22 =	vadd.f32 $6.000000000e+00, v14;
	v23 =	vmul.f32 $1.442695020e+00, v23;
	(erf) = vrcp.f32 v20;
	v20 =	vpop (erf)  }
0x5c: {  	s22 =	simm.s32 $0x0;
	v21 =	vand.u32 $0x7FFFFFFF, v8;
	[tilespmem:s6+$0x0] =	vst v15;
	v15 =	vadd.f32 $1.000000000e+00, v24;
	(erf) = vpow2.f32 v25;
	v24 =	vpop (erf)  }
.LBB2_2:
0x5d: {  	v22 =	vmul.f32 v22, v14;
	v25 =	vadd.f32 $-1.000000000e+00, v18;
	(erf) = vpow2.f32 v23;
	v23 =	vpop (erf)  }
0x5e: {  	s1 =	sadd.s32 $0x10, s1;
	s2 =	sadd.s32 $0x20, s2;
	v18 =	vmovc v19;
	v26 =	vmovc v8;
	v27 =	vmov v13;
	v13 =	vmov v14;
	v14 =	vmov v16  }
0x5f: {  	v28 =	vadd.f32 $-1.000000000e+00, v10;
	v10 =	vmovc v12;
	v16 =	vmovc v17;
	s4 =	sand.u32 $0x30, s1;
	s23 =	sand.u32 $0xF80, s2;
	v24 =	vmul.f32 v24, v15;
	v23 =	vmul.f32 v23, v9  }
0x60: {  	v17 =	vsub.f32 $0.0e+00, v21;
	p0 =	slt.u32 s1, $0x7F0;
	v21 =	vmul.f32 $4.000000000e+00, v16;
	v9 =	vmovc v11;
	v11 =	vmovc v15;
	s4 =	sor.u32 s4, s23;
	v19 =	vmul.f32 v20, v22  }
0x61: {  	v20 =	vmax.f32 v1, $0.0e+00;
	v1 =	vmovc v0;
	v0 =	vmovc v3;
	v8 =	vld [tilespmem:s4+$0x800];
	v12 =	vadd.f32 v24, v25;
	v15 =	vadd.f32 v23, v28  }
.Ltmp0:
0x62: {  	v3 =	vmovc v2;
	v2 =	vmovc v4;
	v24 =	vmul.f32 $1.442695020e+00, v17;
	v21 =	vadd.f32 $6.000000000e+00, v21;
	v22 =	vsub.f32 $0.0e+00, v19;
	(pc) =	sbr.rel @p0 .LBB2_2-.Ltmp0, $4  }
0x63: {  	v4 =	vmovc v5;
	v5 =	vmovc v6;
	v6 =	vmov v7;
	v23 =	vsub.f32 $0.0e+00, v12;
	v15 =	vadd.f32 v15, v20  }
0x64: {  	s22 =	sadd.s32 $0x10, s22;
	v7 =	vmov v26;
	(erf) = vpow2.f32 v24;
	v17 =	vpop (erf);
	v25 =	vmul.f32 $1.442695020e+00, v22  }
0x65: {  	v22 =	vadd.f32 $6.000000000e+00, v14;
	(erf) = vrcp.f32 v21;
	v20 =	vpop (erf);
	v23 =	vmul.f32 $1.442695020e+00, v23;
	[tilespmem:s22+$0x0] =	vst v15  }
0x66: {  	v15 =	vadd.f32 $1.000000000e+00, v27;
	v21 =	vand.u32 $0x7FFFFFFF, v8;
	(erf) = vpow2.f32 v25;
	v24 =	vpop (erf)  }
0x67: {  	v21 =	vsub.f32 $0.0e+00, v21;
	_ =	sdelay $0x1  }
0x68: {  	v21 =	vmul.f32 $1.442695020e+00, v21  }
0x69: {  	v22 =	vmul.f32 v22, v14;
	(erf) = vpow2.f32 v23  }
0x6a: {  	v31 =	vmul.f32 $4.000000000e+00, v17;
	(erf) = vpow2.f32 v21  }
0x6b: {  	v18 =	vadd.f32 $-1.000000000e+00, v18;
	v63 =	vpop (erf);
	v30 =	vadd.f32 $6.000000000e+00, v16;
	v62 =	vmul.f32 v24, v15  }
0x6c: {  	v20 =	vmul.f32 v20, v22;
	v24 =	vadd.f32 $6.000000000e+00, v31;
	v25 =	vpop (erf)  }
0x6d: {  	v13 =	vadd.f32 $1.000000000e+00, v13;
	v22 =	vmul.f32 v30, v16;
	v18 =	vadd.f32 v62, v18;
	v26 =	vpop (erf)  }
0x6e: {  	v19 =	vadd.f32 $-1.000000000e+00, v19;
	v32 =	vsub.f32 $0.0e+00, v20;
	(erf) = vrcp.f32 v24;
	v28 =	vpop (erf)  }
0x6f: {  	v27 =	vsub.f32 $0.0e+00, v18;
	v22 =	vmul.f32 v26, v22;
	v28 =	vmul.f32 v28, v13  }
0x70: {  	v23 =	vmul.f32 $1.442695020e+00, v32;
	v33 =	vmul.f32 $4.000000000e+00, v25  }
0x71: {  	v34 =	vmul.f32 $1.442695020e+00, v27;
	v35 =	vsub.f32 $0.0e+00, v22;
	v19 =	vadd.f32 v28, v19  }
0x72: {  	(erf) = vpow2.f32 v23;
	v36 =	vpop (erf);
	v24 =	vadd.f32 $6.000000000e+00, v33  }
0x73: {  	(erf) = vpow2.f32 v34;
	v27 =	vmul.f32 $1.442695020e+00, v35;
	v37 =	vsub.f32 $0.0e+00, v19;
	v38 =	vpop (erf)  }
0x74: {  	(erf) = vrcp.f32 v24;
	v39 =	vmul.f32 $4.000000000e+00, v38  }
0x75: {  	(erf) = vpow2.f32 v27;
	v26 =	vmul.f32 $1.442695020e+00, v37  }
0x76: {  	v24 =	vadd.f32 $6.000000000e+00, v39  }
0x77: {  	(erf) = vpow2.f32 v26  }
0x78: {  	(erf) = vrcp.f32 v24;
	_ =	sdelay $0x1  }
0x79: {  	v41 =	vadd.f32 $6.000000000e+00, v17;
	v40 =	vpop (erf)  }
0x7a: {  	v43 =	vadd.f32 $1.000000000e+00, v14;
	v42 =	vpop (erf)  }
0x7b: {  	v30 =	vadd.f32 $6.000000000e+00, v25;
	v26 =	vmul.f32 v41, v17;
	v29 =	vpop (erf)  }
0x7c: {  	v16 =	vadd.f32 $1.000000000e+00, v16;
	v20 =	vadd.f32 $-1.000000000e+00, v20;
	v27 =	vmul.f32 v42, v43;
	v31 =	vpop (erf)  }
0x7d: {  	v30 =	vmul.f32 v30, v25;
	v32 =	vadd.f32 $6.000000000e+00, v38;
	v24 =	vmul.f32 v40, v26;
	v44 =	vpop (erf)  }
0x7e: {  	v22 =	vadd.f32 $-1.000000000e+00, v22;
	v20 =	vadd.f32 v27, v20;
	v26 =	vmul.f32 v44, v16  }
0x7f: {  	v46 =	vmul.f32 v32, v38;
	v45 =	vsub.f32 $0.0e+00, v24;
	v30 =	vmul.f32 v31, v30;
	v33 =	vpop (erf)  }
0x80: {  	v47 =	vsub.f32 $0.0e+00, v20;
	v22 =	vadd.f32 v26, v22;
	v48 =	vpop (erf)  }
0x81: {  	v27 =	vmul.f32 $1.442695020e+00, v45;
	v34 =	vsub.f32 $0.0e+00, v30;
	v26 =	vmul.f32 v48, v46  }
0x82: {  	v49 =	vmul.f32 $1.442695020e+00, v47;
	v50 =	vsub.f32 $0.0e+00, v22  }
0x83: {  	(erf) = vpow2.f32 v27;
	v51 =	vmul.f32 $1.442695020e+00, v34;
	v52 =	vsub.f32 $0.0e+00, v26  }
0x84: {  	(erf) = vpow2.f32 v49;
	v53 =	vmul.f32 $1.442695020e+00, v50  }
0x85: {  	(erf) = vpow2.f32 v51;
	v54 =	vmul.f32 $1.442695020e+00, v52  }
0x86: {  	(erf) = vpow2.f32 v53  }
0x87: {  	(erf) = vpow2.f32 v54;
	_ =	sdelay $0x4  }
0x88: {  	v56 =	vpop (erf)  }
0x89: {  	v55 =	vadd.f32 $1.000000000e+00, v17;
	v57 =	vpop (erf)  }
0x8a: {  	v25 =	vadd.f32 $1.000000000e+00, v25;
	v58 =	vpop (erf)  }
0x8b: {  	v28 =	vadd.f32 $1.000000000e+00, v38;
	v24 =	vadd.f32 $-1.000000000e+00, v24;
	v27 =	vmul.f32 v56, v55;
	v59 =	vpop (erf)  }
0x8c: {  	v30 =	vadd.f32 $-1.000000000e+00, v30;
	v32 =	vmul.f32 v58, v25;
	v60 =	vpop (erf)  }
0x8d: {  	v26 =	vadd.f32 $-1.000000000e+00, v26;
	v24 =	vadd.f32 v27, v24;
	v27 =	vmul.f32 v60, v28  }
0x8e: {  	v30 =	vadd.f32 v32, v30  }
0x8f: {  	v61 =	vsub.f32 $0.0e+00, v24;
	v26 =	vadd.f32 v27, v26  }
0x90: {  	v62 =	vsub.f32 $0.0e+00, v30  }
0x91: {  	v9 =	vmul.f32 v63, v9;
	v63 =	vmul.f32 $1.442695020e+00, v61;
	v35 =	vsub.f32 $0.0e+00, v26  }
0x92: {  	v32 =	vmul.f32 $1.442695020e+00, v62  }
0x93: {  	v10 =	vadd.f32 $-1.000000000e+00, v10;
	(erf) = vpow2.f32 v63;
	v37 =	vmul.f32 $1.442695020e+00, v35  }
0x94: {  	v1 =	vmax.f32 v1, $0.0e+00;
	v12 =	vadd.f32 $-1.000000000e+00, v12;
	(erf) = vpow2.f32 v32  }
0x95: {  	v0 =	vmax.f32 v0, $0.0e+00;
	v9 =	vadd.f32 v9, v10;
	(erf) = vpow2.f32 v37  }
0x96: {  	v3 =	vmax.f32 v3, $0.0e+00;
	v2 =	vmax.f32 v2, $0.0e+00;
	v11 =	vmul.f32 v36, v11  }
0x97: {  	v18 =	vadd.f32 $-1.000000000e+00, v18;
	v1 =	vadd.f32 v9, v1;
	v36 =	vmul.f32 v29, v15  }
0x98: {  	v38 =	vadd.f32 v11, v12;
	v41 =	vadd.f32 $-1.000000000e+00, v19;
	v40 =	vmul.f32 v33, v13  }
0x99: {  	v39 =	vadd.f32 v36, v18;
	v42 =	vadd.f32 $-1.000000000e+00, v20;
	v14 =	vmul.f32 v57, v43  }
0x9a: {  	v4 =	vmax.f32 v4, $0.0e+00;
	v0 =	vadd.f32 v38, v0;
	v43 =	vadd.f32 v40, v41  }
0x9b: {  	v3 =	vadd.f32 v39, v3;
	v51 =	vmax.f32 v5, $0.0e+00;
	v44 =	vadd.f32 v14, v42  }
0x9c: {  	s1 =	sadd.s32 $0x10, s22;
	v45 =	vadd.f32 $-1.000000000e+00, v22;
	v2 =	vadd.f32 v43, v2;
	v46 =	vmul.f32 v59, v16;
	v47 =	vpop (erf)  }
0x9d: {  	[tilespmem:s1+$0x0] =	vst v1;
	s1 =	sadd.s32 $0x10, s1;
	v49 =	vadd.f32 $-1.000000000e+00, v24;
	v4 =	vadd.f32 v44, v4;
	v9 =	vmul.f32 v47, v55;
	v50 =	vpop (erf)  }
0x9e: {  	[tilespmem:s1+$0x0] =	vst v0;
	s1 =	sadd.s32 $0x10, s1;
	v52 =	vadd.f32 $-1.000000000e+00, v30;
	v48 =	vadd.f32 v46, v45;
	v11 =	vmul.f32 v50, v25;
	v53 =	vpop (erf)  }
0x9f: {  	[tilespmem:s1+$0x0] =	vst v3;
	s1 =	sadd.s32 $0x10, s1;
	v55 =	vadd.f32 $-1.000000000e+00, v26;
	v54 =	vadd.f32 v9, v49;
	v56 =	vmul.f32 v53, v28  }
0xa0: {  	v57 =	vmax.f32 v6, $0.0e+00;
	[tilespmem:s1+$0x0] =	vst v2;
	s1 =	sadd.s32 $0x10, s1;
	v0 =	vadd.f32 v48, v51;
	v58 =	vadd.f32 v11, v52  }
0xa1: {  	[tilespmem:s1+$0x0] =	vst v4;
	s1 =	sadd.s32 $0x10, s1;
	v59 =	vmax.f32 v7, $0.0e+00;
	v1 =	vadd.f32 v54, v57;
	v60 =	vadd.f32 v56, v55  }
0xa2: {  	v62 =	vmax.f32 v8, $0.0e+00;
	[tilespmem:s1+$0x0] =	vst v0;
	s1 =	sadd.s32 $0x10, s1;
	v61 =	vadd.f32 v58, v59  }
0xa3: {  	[tilespmem:s1+$0x0] =	vst v1;
	s1 =	sadd.s32 $0x10, s1;
	v63 =	vadd.f32 v60, v62  }
0xa4: {  	[tilespmem:s1+$0x0] =	vst v61;
	s1 =	sadd.s32 $0x10, s1  }
0xa5: {  	s22 =	simm.s32 $0x0;
	[tilespmem:s1+$0x0] =	vst v63  }
0xa6: {  	[tilespmem:s17], [sflag:$0x2] =	stream.linear.gather [hbm4b:s9+s22], $0x4000, $0x38;
	[tilespmem:$0x19800] =	vst v63  }
0xa7: {  	s23 =	simm.s32 $0x0  }
0xa8: {  	[tilespmem:s18], [sflag:$0x2] =	stream.linear.gather [hbm4b:s10+s22], $0x4000, $0x38;
	[tilespmem:$0x19800] =	vst v63  }
.LBB2_4:
0xa9: {  	s25 =	sand.u32 $0x1, s23  }
0xaa: {  	s24 =	sadd.s32 $0x1, s25  }
0xab: {  	_ =	swait.ge [sflag:s24], $0x4000  }
0xac: {  	[sflag:s24] =	ssyncset.done $0x0  }
0xad: {  	[sflag:s24] =	ssyncadd.s32 $0xFFFFC000  }
0xae: {  	_ =	swait.ge [sflag:s24], $0x4000  }
0xaf: {  	p0 =	slt.u32 s23, $0x2;
	[sflag:s24] =	ssyncset.done $0x0  }
0xb0: {  	s1 =	sadd.s32 @!p0 $0x3, s25;
	[sflag:s24] =	ssyncadd.s32 $0xFFFFC000  }
0xb1: {  	s2 =	sand.u32 $0x3C00, s22;
	s4 =	sand.u32 $0x380, s22;
	_ =	swait.ge @!p0 [sflag:s1], $0x4000  }
0xb2: {  	s26 =	sshll.u32 s25, $0xE;
	s2 =	sor.u32 s2, s4;
	[sflag:s1] =	ssyncset.done @!p0 $0x0  }
0xb3: {  	s28 =	sor.u32 s26, s2;
	[sflag:s1] =	ssyncadd.s32 @!p0 $0xFFFFC000  }
0xb4: {  	v0 =	vld [tilespmem:s28+$0x1870]  }
0xb5: {  	v1 =	vld [tilespmem:s28+$0x1800]  }
0xb6: {  	v2 =	vld [tilespmem:s28+$0x1810]  }
0xb7: {  	v3 =	vld [tilespmem:s28+$0x1820]  }
0xb8: {  	v5 =	vld [tilespmem:s28+$0x1830]  }
0xb9: {  	v6 =	vld [tilespmem:s28+$0x1840]  }
0xba: {  	v4 =	vld [tilespmem:s28+$0x9870]  }
0xbb: {  	v9 =	vld [tilespmem:s28+$0x9800];
	v0 =	vmul.f32 $5.000000000e+01, v0  }
0xbc: {  	v7 =	vld [tilespmem:s28+$0x1850];
	v1 =	vmul.f32 $5.000000000e+01, v1;
	v2 =	vmul.f32 $5.000000000e+01, v2  }
0xbd: {  	v10 =	vld [tilespmem:s28+$0x9810];
	v3 =	vmul.f32 $5.000000000e+01, v3;
	v5 =	vmul.f32 $5.000000000e+01, v5  }
0xbe: {  	v13 =	vld [tilespmem:s28+$0x9820];
	v6 =	vmul.f32 $5.000000000e+01, v6;
	v8 =	vtrunc.f32 v0  }
0xbf: {  	v18 =	vld [tilespmem:s28+$0x9840];
	v4 =	vshll.u32 v4, $0x6;
	v11 =	vtrunc.f32 v1;
	v8 =	vcvt.f32.s32 v8  }
0xc0: {  	v9 =	vshll.u32 v9, $0x6;
	v12 =	vtrunc.f32 v2;
	v11 =	vcvt.f32.s32 v11  }
0xc1: {  	s13 =	simm.s32 $0x8;
	s14 =	simm.s32 $0x400;
	v20 =	vld [tilespmem:s28+$0x9850];
	v14 =	vtrunc.f32 v3;
	v12 =	vcvt.f32.s32 v12;
	v4 =	vadd.s32 v8, v4  }
0xc2: {  	s2 =	sand.u32 $0x3C00, s14;
	s1 =	sand.u32 $0x380, s13;
	v15 =	vld [tilespmem:s28+$0x1860];
	v10 =	vshll.u32 v10, $0x6;
	v14 =	vcvt.f32.s32 v14;
	v9 =	vadd.s32 v11, v9  }
0xc3: {  	v17 =	vld [tilespmem:s28+$0x9830];
	s1 =	sor.u32 s2, s1;
	v7 =	vmul.f32 $5.000000000e+01, v7;
	v13 =	vshll.u32 v13, $0x6;
	v10 =	vadd.s32 v12, v10  }
0xc4: {  	v24 =	vld [tilespmem:s28+$0x9860];
	s29 =	sor.u32 s26, s1;
	v18 =	vshll.u32 v18, $0x6;
	v21 =	vtrunc.f32 v6;
	v13 =	vadd.s32 v14, v13  }
0xc5: {  	v63 =	vld [tilespmem:s29+$0x9860];
	v22 =	vtrunc.f32 v7;
	v21 =	vcvt.f32.s32 v21;
	v16 =	vadd.s32 $0x1, v4  }
0xc6: {  	v20 =	vshll.u32 v20, $0x6;
	v22 =	vcvt.f32.s32 v22;
	v23 =	vadd.s32 $0x1, v9;
	v4 =	vld.idx.msk [tilespmem:v4+s6+$0x0], $0xffff  }
0xc7: {  	v19 =	vtrunc.f32 v5;
	v18 =	vadd.s32 v21, v18;
	v25 =	vadd.s32 $0x1, v10;
	v9 =	vld.idx.msk [tilespmem:v9+s6+$0x0], $0xffff  }
0xc8: {  	v19 =	vcvt.f32.s32 v19;
	v29 =	vadd.s32 v22, v20;
	v28 =	vld.idx.msk [tilespmem:v10+s6+$0x0], $0xffff;
	v10 =	vadd.s32 $0x1, v18  }
0xc9: {  	v26 =	vadd.s32 $0x1, v13;
	v20 =	vld.idx.msk [tilespmem:v13+s6+$0x0], $0xffff;
	v13 =	vmul.f32 $5.000000000e+01, v15;
	v15 =	vadd.s32 $0x1, v29  }
0xca: {  	v17 =	vshll.u32 v17, $0x6;
	v16 =	vld.idx.msk [tilespmem:v16+s6+$0x0], $0xffff  }
0xcb: {  	v17 =	vadd.s32 v19, v17;
	v23 =	vld.idx.msk [tilespmem:v23+s6+$0x0], $0xffff  }
0xcc: {  	v8 =	vcvt.s32.f32 v8;
	v27 =	vadd.s32 $0x1, v17;
	v25 =	vld.idx.msk [tilespmem:v25+s6+$0x0], $0xffff  }
0xcd: {  	v31 =	vld.idx.msk [tilespmem:v10+s6+$0x0], $0xffff  }
0xce: {  	v0 =	vsub.f32 v0, v8;
	v30 =	vtrunc.f32 v13;
	v33 =	vld.idx.msk [tilespmem:v15+s6+$0x0], $0xffff  }
0xcf: {  	v10 =	vcvt.s32.f32 v12;
	v12 =	vcvt.s32.f32 v19;
	v19 =	vld [tilespmem:s29+$0x1810];
	v8 =	vsub.f32 v16, v4  }
0xd0: {  	v24 =	vshll.u32 v24, $0x6;
	v16 =	vld.idx.msk [tilespmem:v26+s6+$0x0], $0xffff;
	v26 =	vcvt.f32.s32 v30  }
0xd1: {  	v30 =	vld.idx.msk [tilespmem:v27+s6+$0x0], $0xffff;
	v10 =	vsub.f32 v2, v10;
	v0 =	vmul.f32 v0, v8;
	v8 =	vcvt.s32.f32 v11  }
0xd2: {  	v2 =	vsub.f32 v23, v9;
	v23 =	vld [tilespmem:s29+$0x1820];
	v24 =	vadd.s32 v26, v24;
	v11 =	vcvt.s32.f32 v14  }
0xd3: {  	v14 =	vld [tilespmem:s29+$0x1870];
	v27 =	vadd.f32 v0, v4;
	v0 =	vcvt.s32.f32 v21;
	v1 =	vsub.f32 v1, v8  }
0xd4: {  	v4 =	vld [tilespmem:s29+$0x1800];
	v8 =	vcvt.s32.f32 v22;
	v11 =	vsub.f32 v3, v11;
	v22 =	vsub.f32 v25, v28  }
0xd5: {  	v15 =	vadd.s32 $0x1, v24;
	v3 =	vsub.f32 v5, v12;
	v12 =	vsub.f32 v16, v20;
	v16 =	vld [tilespmem:s29+$0x9870]  }
0xd6: {  	v5 =	vmul.f32 v1, v2;
	v2 =	vsub.f32 v6, v0;
	v6 =	vmul.f32 v10, v22;
	v22 =	vld [tilespmem:s29+$0x1830]  }
0xd7: {  	v21 =	vcvt.s32.f32 v26;
	v1 =	vsub.f32 v7, v8;
	v8 =	vmul.f32 $5.000000000e+01, v19;
	v19 =	vld [tilespmem:s29+$0x9800]  }
0xd8: {  	v10 =	vmul.f32 $5.000000000e+01, v23;
	v23 =	vld [tilespmem:s29+$0x9810];
	v25 =	vmul.f32 $5.000000000e+01, v14  }
0xd9: {  	v0 =	vsub.f32 v13, v21;
	v11 =	vmul.f32 v11, v12;
	v7 =	vmul.f32 $5.000000000e+01, v4;
	v4 =	vld [tilespmem:s29+$0x1840]  }
0xda: {  	v14 =	vld [tilespmem:s29+$0x1850];
	v32 =	vadd.f32 v5, v9;
	v21 =	vtrunc.f32 v8;
	v12 =	vtrunc.f32 v25  }
0xdb: {  	v5 =	vld [tilespmem:s29+$0x1860];
	v26 =	vtrunc.f32 v10;
	v28 =	vadd.f32 v6, v28;
	v9 =	vcvt.f32.s32 v12  }
0xdc: {  	v45 =	vld.idx.msk [tilespmem:v15+s6+$0x0], $0xffff;
	v15 =	vshll.u32 v63, $0x6;
	v37 =	vcvt.f32.s32 v21;
	v16 =	vshll.u32 v16, $0x6  }
0xdd: {  	v13 =	vtrunc.f32 v7;
	v12 =	vmul.f32 $5.000000000e+01, v22;
	v16 =	vadd.s32 v9, v16  }
0xde: {  	v34 =	vld [tilespmem:s29+$0x9820];
	v22 =	vcvt.f32.s32 v13;
	v13 =	vmul.f32 $5.000000000e+01, v4;
	v4 =	vadd.s32 $0x1, v16  }
0xdf: {  	v6 =	vld [tilespmem:s29+$0x9830];
	v38 =	vadd.f32 v11, v20;
	v39 =	vcvt.f32.s32 v26;
	v14 =	vmul.f32 $5.000000000e+01, v14  }
0xe0: {  	v20 =	vld [tilespmem:s29+$0x9840];
	v23 =	vshll.u32 v23, $0x6;
	v9 =	vcvt.s32.f32 v9;
	v35 =	vtrunc.f32 v12  }
0xe1: {  	v11 =	vmul.f32 $5.000000000e+01, v5;
	v5 =	vshll.u32 v19, $0x6;
	v19 =	vld [tilespmem:s29+$0x9850];
	v21 =	vtrunc.f32 v14  }
0xe2: {  	v23 =	vadd.s32 v37, v23;
	v41 =	vcvt.f32.s32 v35;
	v35 =	vcvt.s32.f32 v37;
	v40 =	vld.idx.msk [tilespmem:v16+s6+$0x0], $0xffff  }
0xe3: {  	v25 =	vsub.f32 v25, v9;
	v26 =	vtrunc.f32 v11;
	v43 =	vcvt.f32.s32 v21;
	v62 =	vld.idx.msk [tilespmem:v4+s6+$0x0], $0xffff  }
0xe4: {  	v36 =	vtrunc.f32 v13;
	v44 =	vcvt.f32.s32 v26;
	v16 =	vshll.u32 v34, $0x6  }
0xe5: {  	v21 =	vld.idx.msk [tilespmem:v29+s6+$0x0], $0xffff;
	v26 =	vadd.s32 v22, v5;
	v5 =	vshll.u32 v20, $0x6;
	v46 =	vadd.s32 v39, v16  }
0xe6: {  	v20 =	vld.idx.msk [tilespmem:v18+s6+$0x0], $0xffff;
	v18 =	vadd.s32 $0x1, v23;
	v4 =	vshll.u32 v6, $0x6;
	v47 =	vadd.s32 $0x1, v46  }
0xe7: {  	v6 =	vadd.s32 v41, v4;
	v4 =	vshll.u32 v19, $0x6;
	v19 =	vld.idx.msk [tilespmem:v17+s6+$0x0], $0xffff;
	v17 =	vadd.s32 $0x1, v26  }
0xe8: {  	v37 =	vcvt.s32.f32 v41;
	v42 =	vcvt.f32.s32 v36;
	v23 =	vld.idx.msk [tilespmem:v23+s6+$0x0], $0xffff;
	v34 =	vsub.f32 v62, v40  }
0xe9: {  	[tilespmem:s28+$0x11820] =	vst v38;
	v36 =	vcvt.s32.f32 v22;
	v38 =	vcvt.s32.f32 v43;
	v16 =	vld.idx.msk [tilespmem:v24+s6+$0x0], $0xffff;
	v9 =	vadd.s32 v44, v15  }
0xea: {  	v5 =	vadd.s32 v42, v5;
	v24 =	vld.idx.msk [tilespmem:v26+s6+$0x0], $0xffff;
	v29 =	vadd.s32 $0x1, v6;
	v48 =	vmul.f32 v25, v34  }
0xeb: {  	[tilespmem:s28+$0x11870] =	vst v27;
	v4 =	vadd.s32 v43, v4;
	v26 =	vadd.s32 $0x1, v5;
	v41 =	vsub.f32 v31, v20;
	v31 =	vld.idx.msk [tilespmem:v47+s6+$0x0], $0xffff  }
0xec: {  	[tilespmem:s28+$0x11810] =	vst v28;
	v39 =	vcvt.s32.f32 v39;
	v27 =	vadd.s32 $0x1, v4;
	v28 =	vld.idx.msk [tilespmem:v17+s6+$0x0], $0xffff;
	v17 =	vadd.f32 v48, v40  }
0xed: {  	s4 =	simm.s32 $0x800;
	s31 =	sor.u32 $0x1800, s26;
	[tilespmem:s28+$0x11800] =	vst v32;
	v32 =	vcvt.s32.f32 v44;
	v15 =	vadd.s32 $0x1, v9;
	v25 =	vld.idx.msk [tilespmem:v46+s6+$0x0], $0xffff;
	v34 =	vsub.f32 v30, v19  }
0xee: {  	s30 =	sor.u32 $0x9800, s26;
	s2 =	simm.s32 $0x10;
	s1 =	simm.s32 $0x80;
	v30 =	vld.idx.msk [tilespmem:v18+s6+$0x0], $0xffff;
	v40 =	vcvt.s32.f32 v42;
	v42 =	vsub.f32 v33, v21;
	v33 =	vsub.f32 v45, v16;
	[tilespmem:s29+$0x11870] =	vst v17  }
.LBB2_5:
0xef: {  	s13 =	sand.u32 $0x3C00, s4;
	s14 =	sand.u32 $0x380, s2;
	s1 =	sadd.s32 $0x80, s1;
	v7 =	vsub.f32 v7, v36;
	v8 =	vsub.f32 v8, v35;
	v22 =	vld.idx.msk [tilespmem:v29+s6+$0x0], $0xffff;
	v29 =	vmul.f32 v3, v34  }
0xf0: {  	v10 =	vsub.f32 v10, v39;
	v3 =	vsub.f32 v12, v37;
	v12 =	vmul.f32 v2, v41;
	s13 =	sor.u32 s13, s14;
	p0 =	slt.u32 s1, $0x3F80;
	v18 =	vld.idx.msk [tilespmem:v26+s6+$0x0], $0xffff  }
0xf1: {  	v2 =	vsub.f32 v13, v40;
	v13 =	vmul.f32 v1, v42;
	v1 =	vsub.f32 v14, v38;
	s13 =	sor.u32 s26, s13;
	v17 =	vld.idx.msk [tilespmem:v27+s6+$0x0], $0xffff  }
0xf2: {  	v26 =	vsub.f32 v28, v24;
	v27 =	vmul.f32 v0, v33;
	v0 =	vsub.f32 v11, v32;
	v14 =	vld [tilespmem:s13+$0x1870]  }
0xf3: {  	v19 =	vadd.f32 v29, v19;
	v28 =	vsub.f32 v30, v23;
	v11 =	vld [tilespmem:s13+$0x1800]  }
0xf4: {  	v12 =	vadd.f32 v12, v20;
	v7 =	vmul.f32 v7, v26;
	v26 =	vsub.f32 v31, v25;
	v29 =	vld [tilespmem:s13+$0x1810]  }
0xf5: {  	v13 =	vadd.f32 v13, v21;
	v16 =	vadd.f32 v27, v16;
	v8 =	vmul.f32 v8, v28;
	v20 =	vld [tilespmem:s13+$0x1820];
	[tilespmem:s28+$0x11830] =	vst v19  }
0xf6: {  	v21 =	vadd.f32 v7, v24;
	v10 =	vmul.f32 v10, v26;
	v19 =	vld [tilespmem:s13+$0x9870];
	[tilespmem:s28+$0x11840] =	vst v12  }
0xf7: {  	v12 =	vld [tilespmem:s13+$0x1830];
	v24 =	vmul.f32 $5.000000000e+01, v14;
	v14 =	vadd.f32 v8, v23;
	[tilespmem:s28+$0x11850] =	vst v13  }
0xf8: {  	v13 =	vadd.f32 v10, v25;
	v7 =	vmul.f32 $5.000000000e+01, v11;
	v11 =	vld [tilespmem:s13+$0x1840];
	[tilespmem:s29+$0x11800] =	vst v21  }
0xf9: {  	v8 =	vmul.f32 $5.000000000e+01, v29;
	v21 =	vld [tilespmem:s13+$0x1850];
	v23 =	vtrunc.f32 v24;
	[tilespmem:s29+$0x11810] =	vst v14  }
0xfa: {  	v10 =	vmul.f32 $5.000000000e+01, v20;
	v20 =	vld [tilespmem:s13+$0x1860];
	v23 =	vcvt.f32.s32 v23;
	[tilespmem:s29+$0x11820] =	vst v13  }
0xfb: {  	v13 =	vtrunc.f32 v7;
	v25 =	vld [tilespmem:s13+$0x9800];
	v26 =	vtrunc.f32 v8;
	v14 =	vshll.u32 v19, $0x6;
	[tilespmem:s28+$0x11860] =	vst v16;
	s28 =	smov.u32 s29;
	s29 =	smov.u32 s13  }
0xfc: {  	v16 =	vld [tilespmem:s29+$0x9810];
	v19 =	vtrunc.f32 v10;
	v12 =	vmul.f32 $5.000000000e+01, v12;
	v27 =	vadd.s32 v23, v14  }
0xfd: {  	v28 =	vcvt.f32.s32 v13;
	v29 =	vld [tilespmem:s29+$0x9820];
	v13 =	vmul.f32 $5.000000000e+01, v11;
	v30 =	vadd.s32 $0x1, v27  }
0xfe: {  	v31 =	vld [tilespmem:s29+$0x9830];
	v32 =	vtrunc.f32 v12;
	v14 =	vmul.f32 $5.000000000e+01, v21  }
0xff: {  	v21 =	vld [tilespmem:s29+$0x9840];
	v33 =	vtrunc.f32 v13;
	v11 =	vmul.f32 $5.000000000e+01, v20  }
0x100: {  	v20 =	vshll.u32 v25, $0x6;
	v25 =	vcvt.f32.s32 v26;
	v26 =	vld [tilespmem:s29+$0x9850];
	v34 =	vtrunc.f32 v14  }
0x101: {  	v37 =	vcvt.f32.s32 v19;
	v16 =	vshll.u32 v16, $0x6;
	v19 =	vtrunc.f32 v11;
	v38 =	vld.idx.msk [tilespmem:v27+s6+$0x0], $0xffff  }
0x102: {  	v32 =	vcvt.f32.s32 v32;
	v33 =	vcvt.f32.s32 v33;
	v27 =	vshll.u32 v29, $0x6;
	v29 =	vld.idx.msk [tilespmem:v30+s6+$0x0], $0xffff  }
0x103: {  	v42 =	vcvt.f32.s32 v19;
	v30 =	vshll.u32 v31, $0x6;
	v31 =	vcvt.f32.s32 v34;
	v34 =	vld [tilespmem:s29+$0x9860]  }
0x104: {  	v35 =	vadd.s32 v28, v20;
	v36 =	vadd.s32 v25, v16;
	v16 =	vshll.u32 v21, $0x6;
	v43 =	vld.idx.msk [tilespmem:v15+s6+$0x0], $0xffff  }
0x105: {  	v39 =	vadd.s32 v37, v27;
	v15 =	vshll.u32 v26, $0x6;
	v19 =	vld.idx.msk [tilespmem:v6+s6+$0x0], $0xffff;
	v6 =	vadd.s32 v32, v30  }
0x106: {  	v23 =	vcvt.s32.f32 v23;
	v15 =	vadd.s32 v31, v15;
	v20 =	vld.idx.msk [tilespmem:v5+s6+$0x0], $0xffff;
	v5 =	vadd.s32 v33, v16  }
0x107: {  	v40 =	vadd.s32 $0x1, v36;
	v44 =	vadd.s32 $0x1, v39;
	v30 =	vadd.s32 $0x1, v35;
	v21 =	vld.idx.msk [tilespmem:v4+s6+$0x0], $0xffff;
	v4 =	vmovc v15  }
0x108: {  	v41 =	vsub.f32 v29, v38;
	v15 =	vshll.u32 v34, $0x6;
	v34 =	vsub.f32 v24, v23;
	v16 =	vld.idx.msk [tilespmem:v9+s6+$0x0], $0xffff  }
0x109: {  	v29 =	vadd.s32 $0x1, v6;
	v26 =	vadd.s32 $0x1, v5;
	v24 =	vld.idx.msk [tilespmem:v35+s6+$0x0], $0xffff;
	v9 =	vadd.s32 v42, v15  }
.Ltmp1:
0x10a: {  	v27 =	vadd.s32 $0x1, v4;
	v23 =	vld.idx.msk [tilespmem:v36+s6+$0x0], $0xffff;
	v15 =	vadd.s32 $0x1, v9;
	v41 =	vmul.f32 v34, v41;
	(pc) =	sbr.rel @p0 .LBB2_5-.Ltmp1, $4  }
0x10b: {  	v35 =	vcvt.s32.f32 v25;
	v36 =	vcvt.s32.f32 v28;
	v34 =	vsub.f32 v22, v19;
	v25 =	vld.idx.msk [tilespmem:v39+s6+$0x0], $0xffff  }
0x10c: {  	v39 =	vcvt.s32.f32 v37;
	v37 =	vcvt.s32.f32 v32;
	v28 =	vld.idx.msk [tilespmem:v30+s6+$0x0], $0xffff;
	v22 =	vadd.f32 v41, v38  }
0x10d: {  	v38 =	vcvt.s32.f32 v31;
	v41 =	vsub.f32 v18, v20;
	v30 =	vld.idx.msk [tilespmem:v40+s6+$0x0], $0xffff;
	v40 =	vcvt.s32.f32 v33  }
0x10e: {  	s2 =	sadd.s32 $0x8, s2;
	s4 =	sadd.s32 $0x400, s4;
	v32 =	vcvt.s32.f32 v42;
	v42 =	vsub.f32 v17, v21;
	v33 =	vsub.f32 v43, v16;
	v31 =	vld.idx.msk [tilespmem:v44+s6+$0x0], $0xffff;
	[tilespmem:s29+$0x11870] =	vst v22  }
0x10f: {  	_ =	sdelay $0x3  }
0x110: {  	v17 =	vld.idx.msk [tilespmem:v29+s6+$0x0], $0xffff  }
0x111: {  	v18 =	vld.idx.msk [tilespmem:v26+s6+$0x0], $0xffff  }
0x112: {  	v7 =	vsub.f32 v7, v36;
	v22 =	vld.idx.msk [tilespmem:v27+s6+$0x0], $0xffff  }
0x113: {  	v8 =	vsub.f32 v8, v35;
	v10 =	vsub.f32 v10, v39;
	v15 =	vld.idx.msk [tilespmem:v15+s6+$0x0], $0xffff  }
0x114: {  	v3 =	vmul.f32 v3, v34;
	v12 =	vsub.f32 v12, v37;
	v13 =	vsub.f32 v13, v40;
	v6 =	vld.idx.msk [tilespmem:v6+s6+$0x0], $0xffff  }
0x115: {  	v2 =	vmul.f32 v2, v41;
	v14 =	vsub.f32 v14, v38;
	v5 =	vld.idx.msk [tilespmem:v5+s6+$0x0], $0xffff;
	v11 =	vsub.f32 v11, v32  }
0x116: {  	v4 =	vld.idx.msk [tilespmem:v4+s6+$0x0], $0xffff;
	v1 =	vmul.f32 v1, v42;
	v51 =	vsub.f32 v28, v24;
	v3 =	vadd.f32 v3, v19  }
0x117: {  	v9 =	vld.idx.msk [tilespmem:v9+s6+$0x0], $0xffff;
	v0 =	vmul.f32 v0, v33;
	v2 =	vadd.f32 v2, v20;
	v52 =	vsub.f32 v30, v23  }
0x118: {  	v1 =	vadd.f32 v1, v21;
	v7 =	vmul.f32 v7, v51;
	v53 =	vsub.f32 v31, v25;
	[tilespmem:s28+$0x11830] =	vst v3  }
0x119: {  	v0 =	vadd.f32 v0, v16;
	[tilespmem:s28+$0x11840] =	vst v2;
	v8 =	vmul.f32 v8, v52;
	v56 =	vsub.f32 v17, v6  }
0x11a: {  	[tilespmem:s28+$0x11850] =	vst v1;
	v57 =	vsub.f32 v18, v5;
	v54 =	vadd.f32 v7, v24;
	v55 =	vmul.f32 v10, v53  }
0x11b: {  	v59 =	vsub.f32 v22, v4;
	[tilespmem:s28+$0x11860] =	vst v0;
	v8 =	vadd.f32 v8, v23;
	v2 =	vmul.f32 v12, v56  }
0x11c: {  	v60 =	vsub.f32 v15, v9;
	v1 =	vmul.f32 v13, v57;
	[tilespmem:s29+$0x11800] =	vst v54;
	v58 =	vadd.f32 v55, v25  }
0x11d: {  	v61 =	vmul.f32 v14, v59;
	[tilespmem:s29+$0x11810] =	vst v8;
	v2 =	vadd.f32 v2, v6  }
0x11e: {  	v62 =	vmul.f32 v11, v60;
	v1 =	vadd.f32 v1, v5;
	[tilespmem:s29+$0x11820] =	vst v58  }
0x11f: {  	v63 =	vadd.f32 v61, v4;
	[tilespmem:s29+$0x11830] =	vst v2  }
0x120: {  	s1 =	sadd.s32 s11, s23;
	v0 =	vadd.f32 v62, v9;
	[tilespmem:s29+$0x11840] =	vst v1  }
0x121: {  	s2 =	sadd.s32 $0x11800, s26;
	s1 =	sshll.u32 s1, $0xB;
	[tilespmem:s29+$0x11850] =	vst v63  }
0x122: {  	s4 =	sadd.s32 $0x3, s25;
	p0 =	sgt.u32 s23, $0x1;
	s1 =	sadd.s32 s5, s1;
	[tilespmem:s29+$0x11860] =	vst v0  }
0x123: {  	[hbm4b:s1+s6] =	stream.linear.scatter [tilespmem:s2], [sflag:s4], $0x4000, $0x38;
	[tilespmem:$0x19800] =	vst v63  }
0x124: {  	s1 =	sor.u32 @!p0 s11, s23  }
0x125: {  	s1 =	sshll.u32 @!p0 s1, $0xB  }
0x126: {  	s1 =	sand.u32 @!p0 $0x1FFFE800, s1  }
0x127: {  	s1 =	sor.u32 @!p0 $0x1000, s1  }
0x128: {  	s4 =	simm.s32 @!p0 $0x0;
	s2 =	sadd.s32 @!p0 s0, s1  }
0x129: {  	[tilespmem:s31], [sflag:s24] =	stream.linear.gather @!p0 [hbm4b:s2+s4], $0x4000, $0x38;
	[tilespmem:$0x19800] =	vst v63  }
0x12a: {  	s23 =	sadd.s32 $0x1, s23;
	s1 =	sadd.s32 @!p0 s3, s1  }
0x12b: {  	[tilespmem:s30], [sflag:s24] =	stream.linear.gather @!p0 [hbm4b:s1+s4], $0x4000, $0x38;
	[tilespmem:$0x19800] =	vst v63  }
0x12c: {  	p0 =	sne.s32 s23, $0x4  }
.Ltmp2:
0x12d: {  	_ = 	snop;
	(pc) =	sbr.rel @p0 .LBB2_4-.Ltmp2, $1  }
0x12e: {  	_ =	sdelay $0x3  }
0x12f: {  	s21 =	sadd.s32 $0x1, s21  }
0x130: {  	_ =	swait.ge [sflag:s19], $0x4000;
	p0 =	sne.s32 s21, s12  }
.Ltmp3:
0x131: {  	[sflag:s19] =	ssyncset.done $0x0;
	(pc) =	sbr.rel @p0 .LBB2_1-.Ltmp3, $4  }
0x132: {  	[sflag:s19] =	ssyncadd.s32 $0xFFFFC000  }
0x133: {  	_ =	swait.ge [sflag:s20], $0x4000  }
0x134: {  	[sflag:s20] =	ssyncset.done $0x0  }
0x135: {  	[sflag:s20] =	ssyncadd.s32 $0xFFFFC000  }
0x136: {  	_ =	sfence.sel $0x180000  }
0x137: {  	[bflag:$0x0] =	sbarrier.arrive $0xFFFF  }
0x138: {  	_ =	strace $0x90000047  }
0x139: {  	s0 =	stileid.u32;
	[bflag:$0x2] =	sbarrier.arrive $0xFFFF  }
0x13a: {  	p0 =	sne.s32 s0, $0x0;
	s0 =	rddreg [dreg:$0x4]  }
0x13b: {  	s0 =	sadd.s32 @!p0 $0x100000, s0  }
0x13c: {  	[sflag:s0] =	ssyncadd.tile.s32 @!p0 $0x1;
	_ =	shalt  }
.Lfunc_end2:
_tile_overlayer_lowered:
.L_overlay_start_2:
0x13d: {  	(tag) =	ssettag $0x2  }
0x13e: {  	s0 =	rddreg [dreg:$0x0];
	s2 =	stileid.u32  }
0x13f: {  	s1 =	rddreg [dreg:$0x1];
	p0 =	sne.s32 s2, $0x0  }
0x140: {  	s3 =	rddreg [dreg:$0x2];
	[bflag:$0x3] =	sbarrier.arrive $0xFFFF;
	s2 =	simm.s32 @!p0 $0x1C05  }
0x141: {  	[timem:s3], [sflag:s2] =	dma.local @!p0 [hbm:s0], s1  }
0x142: {  	s0 =	simm.s32 @!p0 $0x5  }
0x143: {  	_ =	swait.ge @!p0 [sflag:s0], s1  }
0x144: {  	s1 =	ssub.s32 @!p0 $0x0, s1;
	[sflag:s0] =	ssyncset.done @!p0 $0x0  }
0x145: {  	[sflag:s0] =	ssyncadd.s32 @!p0 s1  }
0x146: {  	[bflag:$0x3] =	sbarrier.arrive $0xFFFF  }
0x147: {  	_ =	shalt  }

</sc_bundles>
